<compile_context>
chip_gen: v7x
topology: tpu7x:2x2x1
jax: 0.10.2.dev20260603
libtpu: 0.0.44.dev20260713+nightly
codegen_flags: <defaults>
</compile_context>

<pallas_src>
import functools

import numpy as np

import jax
import jax.numpy as jnp
from jax import lax
from jax.experimental import pallas as pl
from jax.experimental.pallas import tpu as pltpu
from jax.experimental.pallas import tpu_sc as plsc

VOCAB = 1000000
EMBED = 64
BATCH = 16384
NC, NS, L = 2, 16, 16
NW = NC * NS
BPW = BATCH // NW
CH = 8192
NG = 31
OUTR = NG * CH
NBLK = 123
LOSS_BLKS = 8
HMASK = -65536


def _tc_pack(wt):

    def body(xa_ref, xb_ref, xc_ref, xd_ref, o_ref):
        r = lax.broadcasted_iota(jnp.int32, (EMBED, EMBED), 0)
        c = lax.broadcasted_iota(jnp.int32, (EMBED, EMBED), 1)
        eye = jnp.where(r == c, 1.0, 0.0).astype(jnp.bfloat16)
        dn = (((0,), (0,)), ((), ()))

        def tr_bits(x_ref):
            t = lax.dot_general(x_ref[...].astype(jnp.bfloat16), eye, dn,
                                preferred_element_type=jnp.float32)
            return lax.bitcast_convert_type(t, jnp.uint32)

        def pack_pair(lo_ref, hi_ref):
            merged = (tr_bits(hi_ref) & np.uint32(0xFFFF0000)) | (tr_bits(lo_ref) >> 16)
            return lax.bitcast_convert_type(merged, jnp.int32)

        o_ref[:, 0:EMBED] = pack_pair(xa_ref, xb_ref)
        o_ref[:, EMBED:128] = pack_pair(xc_ref, xd_ref)

    def spec(j):
        return pl.BlockSpec(
            (EMBED, CH), lambda g: (0, jnp.minimum(4 * g + j, NBLK - 1)))

    return pl.pallas_call(
        body,
        grid=(NG,),
        in_specs=[spec(0), spec(1), spec(2), spec(3)],
        out_specs=pl.BlockSpec((CH, 128), lambda g: (g, 0)),
        out_shape=jax.ShapeDtypeStruct((OUTR, 128), jnp.int32),
    )(wt, wt, wt, wt)


def _sc_gather(ids, packed):
    mesh = plsc.VectorSubcoreMesh(
        core_axis_name="c", subcore_axis_name="s",
        num_cores=NC, num_subcores=NS)

    @functools.partial(
        pl.kernel,
        out_type=jax.ShapeDtypeStruct((BATCH, 128), jnp.int32),
        mesh=mesh,
        compiler_params=pltpu.CompilerParams(needs_layout_passes=False),
        scratch_types=[
            pltpu.VMEM((BPW,), jnp.int32),
            pltpu.VMEM((BPW,), jnp.int32),
            pltpu.VMEM((BPW, 128), jnp.int32),
            pltpu.SemaphoreType.DMA,
        ],
    )
    def k(ids_hbm, tab_hbm, out_hbm, idx_v, row_v, buf, sem):
        wid = lax.axis_index("s") * NC + lax.axis_index("c")
        base = wid * BPW
        pltpu.sync_copy(ids_hbm.at[pl.ds(base, BPW)], idx_v)

        def idx_body(t, _):
            s = t * L
            iv = idx_v[pl.ds(s, L)]
            row_v[pl.ds(s, L)] = (iv & (CH - 1)) + ((iv >> 15) << 13)
            return 0

        lax.fori_loop(0, BPW // L, idx_body, 0)

        cp = pltpu.async_copy(tab_hbm.at[row_v], buf, sem)
        cp.wait()
        pltpu.sync_copy(buf, out_hbm.at[pl.ds(base, BPW)])

    return k(ids, packed)


def _tc_dot_loss(cids, oids, gc, go):
    blk = BATCH // LOSS_BLKS

    def unpack_select(v, ids):
        q0 = lax.bitcast_convert_type(v[:, 0:EMBED] << 16, jnp.float32)
        q1 = lax.bitcast_convert_type(v[:, 0:EMBED] & HMASK, jnp.float32)
        q2 = lax.bitcast_convert_type(v[:, EMBED:128] << 16, jnp.float32)
        q3 = lax.bitcast_convert_type(v[:, EMBED:128] & HMASK, jnp.float32)
        q = (ids >> 13) & 3
        m0 = (q == 0).astype(jnp.float32)
        m1 = (q == 1).astype(jnp.float32)
        m2 = (q == 2).astype(jnp.float32)
        m3 = (q == 3).astype(jnp.float32)
        return m0 * q0 + m1 * q1 + m2 * q2 + m3 * q3

    def body(cid_ref, oid_ref, gc_ref, go_ref, o_ref):
        i = pl.program_id(0)
        csel = unpack_select(gc_ref[...], cid_ref[...])
        osel = unpack_select(go_ref[...], oid_ref[...])
        dot = jnp.sum(csel * osel, axis=1, keepdims=True)
        ls = jnp.minimum(dot, 0.0) - jnp.log1p(jnp.exp(-jnp.abs(dot)))
        part = -jnp.sum(ls) / BATCH

        @pl.when(i == 0)
        def _():
            o_ref[0, 0] = 0.0

        o_ref[0, 0] += part

    out = pl.pallas_call(
        body,
        grid=(LOSS_BLKS,),
        in_specs=[
            pl.BlockSpec((blk, 1), lambda i: (i, 0)),
            pl.BlockSpec((blk, 1), lambda i: (i, 0)),
            pl.BlockSpec((blk, 128), lambda i: (i, 0)),
            pl.BlockSpec((blk, 128), lambda i: (i, 0)),
        ],
        out_specs=pl.BlockSpec(memory_space=pltpu.SMEM),
        out_shape=jax.ShapeDtypeStruct((1, 1), jnp.float32),
    )(cids.reshape(BATCH, 1), oids.reshape(BATCH, 1), gc, go)
    return out[0, 0]


def kernel(center_ids, context_ids, W_center, W_context):
    cids = center_ids.astype(jnp.int32)
    oids = context_ids.astype(jnp.int32)
    wc_packed = _tc_pack(W_center.T)
    gc = _sc_gather(cids, wc_packed)
    wo_packed = _tc_pack(W_context.T)
    go = _sc_gather(oids, wo_packed)
    return _tc_dot_loss(cids, oids, gc, go)

# --- scband reference (transcript-rebuilt; emitter-appended) ---
"""Pipeline reference for scband-skip-gram-model-87943750353155 (READ-ONLY COPY).

The authoritative reference and input builder live on the scoring server;
editing this copy changes nothing except your own understanding.
"""

import jax, jax.numpy as jnp
import numpy as np

VOCAB = 1000000
EMBED = 64
BATCH = 16384


def setup_inputs(seed: int = 0) -> dict:
    key = jax.random.key(seed)
    k1, k2, k3, k4 = jax.random.split(key, 4)
    center_ids = jax.random.randint(k1, (BATCH,), 0, VOCAB, dtype=jnp.int64 if jax.config.jax_enable_x64 else jnp.int32)
    context_ids = jax.random.randint(k2, (BATCH,), 0, VOCAB, dtype=jnp.int64 if jax.config.jax_enable_x64 else jnp.int32)
    W_center = jax.random.normal(k3, (VOCAB, EMBED), dtype=jnp.float32) * 0.02
    W_context = jax.random.normal(k4, (VOCAB, EMBED), dtype=jnp.float32) * 0.02
    return {"center_ids": center_ids, "context_ids": context_ids, "W_center": W_center, "W_context": W_context}


def reference(center_ids, context_ids, W_center, W_context):
    # embedding lookups (gather)
    c = jnp.take(W_center, center_ids, axis=0)   # [B, D]
    o = jnp.take(W_context, context_ids, axis=0)  # [B, D]
    dot = jnp.sum(c * o, axis=1)                  # [B]
    loss = -jnp.mean(jax.nn.log_sigmoid(dot))
    return loss

if __name__ == "__main__":
    import jax
    _d = setup_inputs()
    print(jax.jit(kernel)(*tuple(_d.values())))

</pallas_src>

<mosaic_0001>
#map = affine_map<(d0, d1) -> (0)>
#map1 = affine_map<(d0, d1) -> (0, 0)>
module attributes {stable_mosaic.version = 14 : i64} {
  func.func @k(%arg0: i32, %arg1: i32, %arg2: memref<16384xi32, #tpu.memory_space<hbm>>, %arg3: memref<253952x128xi32, #tpu.memory_space<hbm>>, %arg4: memref<16384x128xi32, #tpu.memory_space<hbm>>, %arg5: memref<512xi32, #tpu.memory_space<vmem>>, %arg6: memref<512xi32, #tpu.memory_space<vmem>>, %arg7: memref<512x128xi32, #tpu.memory_space<vmem>>, %arg8: memref<!tpu.dma_semaphore, #tpu.memory_space<semaphore_mem>>) attributes {dimension_semantics = [#tpu.dimension_semantics<core_parallel>, #tpu.dimension_semantics<subcore_parallel>], iteration_bounds = array<i64: 2, 16>, scalar_prefetch = 0 : i64, scratch_operands = 4 : i64, tpu.core_type = #tpu.core_type<sc_vector_subcore>, window_params = [{transform_indices = #map}, {transform_indices = #map1}, {transform_indices = #map1}]} {
    %mul3A = arith.constant 2 : i32
    %mul3A_0 = arith.muli %arg1, %mul3A : i32
    %add3A = arith.addi %mul3A_0, %arg0 : i32
    %mul3A_1 = arith.constant 512 : i32
    %mul3A_2 = arith.muli %add3A, %mul3A_1 : i32
    "tpu.region"() ({
      %run_scoped3A = tpu.sem_alloc : memref<!tpu.dma_semaphore, #tpu.memory_space<semaphore_mem>>
      %dma_start3A_13 = tpu.memref_slice %arg2[%mul3A_2] : memref<16384xi32, #tpu.memory_space<hbm>> -> memref<512xi32, #tpu.memory_space<hbm>>
      %dma_start3A_14 = tpu.memref_slice %arg2[%mul3A_2] : memref<16384xi32, #tpu.memory_space<hbm>> -> memref<512xi32, #tpu.memory_space<hbm>>
      tpu.enqueue_dma source(%dma_start3A_14 : memref<512xi32, #tpu.memory_space<hbm>>) target(%arg5 : memref<512xi32, #tpu.memory_space<vmem>>) target_semaphore(%run_scoped3A : memref<!tpu.dma_semaphore, #tpu.memory_space<semaphore_mem>>)
      %dma_wait3A_15 = tpu.memref_slice %arg2[%mul3A_2] : memref<16384xi32, #tpu.memory_space<hbm>> -> memref<512xi32, #tpu.memory_space<hbm>>
      %dma_wait3A_16 = tpu.memref_slice %arg2[%mul3A_2] : memref<16384xi32, #tpu.memory_space<hbm>> -> memref<512xi32, #tpu.memory_space<hbm>>
      tpu.wait_dma2 semaphore(%run_scoped3A : memref<!tpu.dma_semaphore, #tpu.memory_space<semaphore_mem>>) src(%dma_wait3A_16 : memref<512xi32, #tpu.memory_space<hbm>>) dst(%arg5 : memref<512xi32, #tpu.memory_space<vmem>>)
      tpu.yield
    }) : () -> ()
    %scan3A = arith.constant 0 : i32
    %scan3A_3 = arith.constant 0 : i32
    %scan3A_4 = arith.constant 32 : i32
    %scan3A_5 = arith.addi %scan3A_3, %scan3A_4 : i32
    %scan3A_6 = arith.constant 1 : i32
    %scan3A_7 = scf.for %scan3A_13 = %scan3A_3 to %scan3A_5 step %scan3A_6 iter_args(%scan3A_14 = %scan3A) -> (i32)  : i32 {
      %mul3A_15 = arith.constant 16 : i32
      %mul3A_16 = arith.muli %scan3A_13, %mul3A_15 : i32
      %get3A = arith.index_cast %mul3A_16 : i32 to index
      %get3A_17 = tpu.vector_load %arg5[%get3A] {strides = array<i32>} : memref<512xi32, #tpu.memory_space<vmem>>, vector<16xi32>,
      %and3A = arith.constant 8191 : i32
      %and3A_18 = vector.broadcast %and3A : i32 to vector<16xi32>
      %and3A_19 = arith.andi %get3A_17, %and3A_18 : vector<16xi32>
      %shift_right_arithmetic3A = arith.constant 15 : i32
      %shift_right_arithmetic3A_20 = vector.broadcast %shift_right_arithmetic3A : i32 to vector<16xi32>
      %shift_right_arithmetic3A_21 = arith.shrsi %get3A_17, %shift_right_arithmetic3A_20 : vector<16xi32>
      %shift_left3A = arith.constant 13 : i32
      %shift_left3A_22 = vector.broadcast %shift_left3A : i32 to vector<16xi32>
      %shift_left3A_23 = arith.shli %shift_right_arithmetic3A_21, %shift_left3A_22 : vector<16xi32>
      %add3A_24 = arith.addi %and3A_19, %shift_left3A_23 : vector<16xi32>
      %swap3A = arith.index_cast %mul3A_16 : i32 to index
      %swap3A_25 = tpu.vector_load %arg6[%swap3A] {strides = array<i32>} : memref<512xi32, #tpu.memory_space<vmem>>, vector<16xi32>,
      tpu.vector_store %arg6[%swap3A], %add3A_24 {strides = array<i32>} : memref<512xi32, #tpu.memory_space<vmem>>, vector<16xi32>,
      %scan3A_26 = arith.constant 0 : i32
      scf.yield %scan3A_26 : i32
    }
    %scan3A_8 = arith.constant 32 : i32
    %dma_start3A = arith.constant 0 : i32
    %dma_start3A_9 = arith.constant 0 : i32
    %dma_start3A_10 = tpu.memref_slice %arg3[%dma_start3A, %dma_start3A_9] : memref<253952x128xi32, #tpu.memory_space<hbm>> -> memref<253952x128xi32, #tpu.memory_space<hbm>>
    tpu.enqueue_indirect_dma source(%dma_start3A_10 : memref<253952x128xi32, #tpu.memory_space<hbm>>) target(%arg7 : memref<512x128xi32, #tpu.memory_space<vmem>>) offsets(%arg6 : memref<512xi32, #tpu.memory_space<vmem>>) semaphore(%arg8 : memref<!tpu.dma_semaphore, #tpu.memory_space<semaphore_mem>>)
    %dma_wait3A = arith.constant 0 : i32
    %dma_wait3A_11 = arith.constant 0 : i32
    %dma_wait3A_12 = tpu.memref_slice %arg3[%dma_wait3A, %dma_wait3A_11] : memref<253952x128xi32, #tpu.memory_space<hbm>> -> memref<253952x128xi32, #tpu.memory_space<hbm>>
    tpu.wait_indirect_dma semaphore(%arg8 : memref<!tpu.dma_semaphore, #tpu.memory_space<semaphore_mem>>) src(%dma_wait3A_12 : memref<253952x128xi32, #tpu.memory_space<hbm>>) dst(%arg7 : memref<512x128xi32, #tpu.memory_space<vmem>>)
    "tpu.region"() ({
      %run_scoped3A = tpu.sem_alloc : memref<!tpu.dma_semaphore, #tpu.memory_space<semaphore_mem>>
      %dma_start3A_13 = arith.constant 0 : i32
      %dma_start3A_14 = tpu.memref_slice %arg4[%mul3A_2, %dma_start3A_13] : memref<16384x128xi32, #tpu.memory_space<hbm>> -> memref<512x128xi32, #tpu.memory_space<hbm>>
      %dma_start3A_15 = arith.constant 0 : i32
      %dma_start3A_16 = tpu.memref_slice %arg4[%mul3A_2, %dma_start3A_15] : memref<16384x128xi32, #tpu.memory_space<hbm>> -> memref<512x128xi32, #tpu.memory_space<hbm>>
      tpu.enqueue_dma source(%arg7 : memref<512x128xi32, #tpu.memory_space<vmem>>) target(%dma_start3A_16 : memref<512x128xi32, #tpu.memory_space<hbm>>) target_semaphore(%run_scoped3A : memref<!tpu.dma_semaphore, #tpu.memory_space<semaphore_mem>>)
      %dma_wait3A_17 = arith.constant 0 : i32
      %dma_wait3A_18 = tpu.memref_slice %arg4[%mul3A_2, %dma_wait3A_17] : memref<16384x128xi32, #tpu.memory_space<hbm>> -> memref<512x128xi32, #tpu.memory_space<hbm>>
      %dma_wait3A_19 = arith.constant 0 : i32
      %dma_wait3A_20 = tpu.memref_slice %arg4[%mul3A_2, %dma_wait3A_19] : memref<16384x128xi32, #tpu.memory_space<hbm>> -> memref<512x128xi32, #tpu.memory_space<hbm>>
      tpu.wait_dma2 semaphore(%run_scoped3A : memref<!tpu.dma_semaphore, #tpu.memory_space<semaphore_mem>>) src(%arg7 : memref<512x128xi32, #tpu.memory_space<vmem>>) dst(%dma_wait3A_20 : memref<512x128xi32, #tpu.memory_space<hbm>>)
      tpu.yield
    }) : () -> ()
    return
  }
}

#map = affine_map<(d0, d1) -> (0)>
#map1 = affine_map<(d0, d1) -> (0, 0)>
module attributes {stable_mosaic.version = 14 : i64} {
  func.func @k(%arg0: i32, %arg1: i32, %arg2: memref<16384xi32, #tpu.memory_space<hbm>>, %arg3: memref<253952x128xi32, #tpu.memory_space<hbm>>, %arg4: memref<16384x128xi32, #tpu.memory_space<hbm>>, %arg5: memref<512xi32, #tpu.memory_space<vmem>>, %arg6: memref<512xi32, #tpu.memory_space<vmem>>, %arg7: memref<512x128xi32, #tpu.memory_space<vmem>>, %arg8: memref<!tpu.dma_semaphore, #tpu.memory_space<semaphore_mem>>) attributes {dimension_semantics = [#tpu.dimension_semantics<core_parallel>, #tpu.dimension_semantics<subcore_parallel>], iteration_bounds = array<i64: 2, 16>, scalar_prefetch = 0 : i64, scratch_operands = 4 : i64, tpu.core_type = #tpu.core_type<sc_vector_subcore>, window_params = [{transform_indices = #map}, {transform_indices = #map1}, {transform_indices = #map1}]} {
    %mul3A = arith.constant 2 : i32
    %mul3A_0 = arith.muli %arg1, %mul3A : i32
    %add3A = arith.addi %mul3A_0, %arg0 : i32
    %mul3A_1 = arith.constant 512 : i32
    %mul3A_2 = arith.muli %add3A, %mul3A_1 : i32
    "tpu.region"() ({
      %run_scoped3A = tpu.sem_alloc : memref<!tpu.dma_semaphore, #tpu.memory_space<semaphore_mem>>
      %dma_start3A_13 = tpu.memref_slice %arg2[%mul3A_2] : memref<16384xi32, #tpu.memory_space<hbm>> -> memref<512xi32, #tpu.memory_space<hbm>>
      %dma_start3A_14 = tpu.memref_slice %arg2[%mul3A_2] : memref<16384xi32, #tpu.memory_space<hbm>> -> memref<512xi32, #tpu.memory_space<hbm>>
      tpu.enqueue_dma source(%dma_start3A_14 : memref<512xi32, #tpu.memory_space<hbm>>) target(%arg5 : memref<512xi32, #tpu.memory_space<vmem>>) target_semaphore(%run_scoped3A : memref<!tpu.dma_semaphore, #tpu.memory_space<semaphore_mem>>)
      %dma_wait3A_15 = tpu.memref_slice %arg2[%mul3A_2] : memref<16384xi32, #tpu.memory_space<hbm>> -> memref<512xi32, #tpu.memory_space<hbm>>
      %dma_wait3A_16 = tpu.memref_slice %arg2[%mul3A_2] : memref<16384xi32, #tpu.memory_space<hbm>> -> memref<512xi32, #tpu.memory_space<hbm>>
      tpu.wait_dma2 semaphore(%run_scoped3A : memref<!tpu.dma_semaphore, #tpu.memory_space<semaphore_mem>>) src(%dma_wait3A_16 : memref<512xi32, #tpu.memory_space<hbm>>) dst(%arg5 : memref<512xi32, #tpu.memory_space<vmem>>)
      tpu.yield
    }) : () -> ()
    %scan3A = arith.constant 0 : i32
    %scan3A_3 = arith.constant 0 : i32
    %scan3A_4 = arith.constant 32 : i32
    %scan3A_5 = arith.addi %scan3A_3, %scan3A_4 : i32
    %scan3A_6 = arith.constant 1 : i32
    %scan3A_7 = scf.for %scan3A_13 = %scan3A_3 to %scan3A_5 step %scan3A_6 iter_args(%scan3A_14 = %scan3A) -> (i32)  : i32 {
      %mul3A_15 = arith.constant 16 : i32
      %mul3A_16 = arith.muli %scan3A_13, %mul3A_15 : i32
      %get3A = arith.index_cast %mul3A_16 : i32 to index
      %get3A_17 = tpu.vector_load %arg5[%get3A] {strides = array<i32>} : memref<512xi32, #tpu.memory_space<vmem>>, vector<16xi32>,
      %and3A = arith.constant 8191 : i32
      %and3A_18 = vector.broadcast %and3A : i32 to vector<16xi32>
      %and3A_19 = arith.andi %get3A_17, %and3A_18 : vector<16xi32>
      %shift_right_arithmetic3A = arith.constant 15 : i32
      %shift_right_arithmetic3A_20 = vector.broadcast %shift_right_arithmetic3A : i32 to vector<16xi32>
      %shift_right_arithmetic3A_21 = arith.shrsi %get3A_17, %shift_right_arithmetic3A_20 : vector<16xi32>
      %shift_left3A = arith.constant 13 : i32
      %shift_left3A_22 = vector.broadcast %shift_left3A : i32 to vector<16xi32>
      %shift_left3A_23 = arith.shli %shift_right_arithmetic3A_21, %shift_left3A_22 : vector<16xi32>
      %add3A_24 = arith.addi %and3A_19, %shift_left3A_23 : vector<16xi32>
      %swap3A = arith.index_cast %mul3A_16 : i32 to index
      %swap3A_25 = tpu.vector_load %arg6[%swap3A] {strides = array<i32>} : memref<512xi32, #tpu.memory_space<vmem>>, vector<16xi32>,
      tpu.vector_store %arg6[%swap3A], %add3A_24 {strides = array<i32>} : memref<512xi32, #tpu.memory_space<vmem>>, vector<16xi32>,
      %scan3A_26 = arith.constant 0 : i32
      scf.yield %scan3A_26 : i32
    }
    %scan3A_8 = arith.constant 32 : i32
    %dma_start3A = arith.constant 0 : i32
    %dma_start3A_9 = arith.constant 0 : i32
    %dma_start3A_10 = tpu.memref_slice %arg3[%dma_start3A, %dma_start3A_9] : memref<253952x128xi32, #tpu.memory_space<hbm>> -> memref<253952x128xi32, #tpu.memory_space<hbm>>
    tpu.enqueue_indirect_dma source(%dma_start3A_10 : memref<253952x128xi32, #tpu.memory_space<hbm>>) target(%arg7 : memref<512x128xi32, #tpu.memory_space<vmem>>) offsets(%arg6 : memref<512xi32, #tpu.memory_space<vmem>>) semaphore(%arg8 : memref<!tpu.dma_semaphore, #tpu.memory_space<semaphore_mem>>)
    %dma_wait3A = arith.constant 0 : i32
    %dma_wait3A_11 = arith.constant 0 : i32
    %dma_wait3A_12 = tpu.memref_slice %arg3[%dma_wait3A, %dma_wait3A_11] : memref<253952x128xi32, #tpu.memory_space<hbm>> -> memref<253952x128xi32, #tpu.memory_space<hbm>>
    tpu.wait_indirect_dma semaphore(%arg8 : memref<!tpu.dma_semaphore, #tpu.memory_space<semaphore_mem>>) src(%dma_wait3A_12 : memref<253952x128xi32, #tpu.memory_space<hbm>>) dst(%arg7 : memref<512x128xi32, #tpu.memory_space<vmem>>)
    "tpu.region"() ({
      %run_scoped3A = tpu.sem_alloc : memref<!tpu.dma_semaphore, #tpu.memory_space<semaphore_mem>>
      %dma_start3A_13 = arith.constant 0 : i32
      %dma_start3A_14 = tpu.memref_slice %arg4[%mul3A_2, %dma_start3A_13] : memref<16384x128xi32, #tpu.memory_space<hbm>> -> memref<512x128xi32, #tpu.memory_space<hbm>>
      %dma_start3A_15 = arith.constant 0 : i32
      %dma_start3A_16 = tpu.memref_slice %arg4[%mul3A_2, %dma_start3A_15] : memref<16384x128xi32, #tpu.memory_space<hbm>> -> memref<512x128xi32, #tpu.memory_space<hbm>>
      tpu.enqueue_dma source(%arg7 : memref<512x128xi32, #tpu.memory_space<vmem>>) target(%dma_start3A_16 : memref<512x128xi32, #tpu.memory_space<hbm>>) target_semaphore(%run_scoped3A : memref<!tpu.dma_semaphore, #tpu.memory_space<semaphore_mem>>)
      %dma_wait3A_17 = arith.constant 0 : i32
      %dma_wait3A_18 = tpu.memref_slice %arg4[%mul3A_2, %dma_wait3A_17] : memref<16384x128xi32, #tpu.memory_space<hbm>> -> memref<512x128xi32, #tpu.memory_space<hbm>>
      %dma_wait3A_19 = arith.constant 0 : i32
      %dma_wait3A_20 = tpu.memref_slice %arg4[%mul3A_2, %dma_wait3A_19] : memref<16384x128xi32, #tpu.memory_space<hbm>> -> memref<512x128xi32, #tpu.memory_space<hbm>>
      tpu.wait_dma2 semaphore(%run_scoped3A : memref<!tpu.dma_semaphore, #tpu.memory_space<semaphore_mem>>) src(%arg7 : memref<512x128xi32, #tpu.memory_space<vmem>>) dst(%dma_wait3A_20 : memref<512x128xi32, #tpu.memory_space<hbm>>)
      tpu.yield
    }) : () -> ()
    return
  }
}

module attributes {stable_mosaic.version = 14 : i64} {
  func.func @body(%arg0: i32, %arg1: memref<64x8192xf32, #tpu.memory_space<vmem>>, %arg2: memref<64x8192xf32, #tpu.memory_space<vmem>>, %arg3: memref<64x8192xf32, #tpu.memory_space<vmem>>, %arg4: memref<64x8192xf32, #tpu.memory_space<vmem>>, %arg5: memref<8192x128xi32, #tpu.memory_space<vmem>>) attributes {dimension_semantics = [#tpu.dimension_semantics<arbitrary>], iteration_bounds = array<i64: 31>, scalar_prefetch = 0 : i64, scratch_operands = 0 : i64, tpu.core_type = #tpu.core_type<tc>, window_params = [{transform_indices = @transform_0, window_bounds = array<i64: 64, 8192>}, {transform_indices = @transform_1, window_bounds = array<i64: 64, 8192>}, {transform_indices = @transform_2, window_bounds = array<i64: 64, 8192>}, {transform_indices = @transform_3, window_bounds = array<i64: 64, 8192>}, {transform_indices = @transform_4, window_bounds = array<i64: 8192, 128>}]} {
    %iota3A = tpu.iota {dimensions = array<i32: 0>} : vector<64x64xi32>
    %iota3A_0 = tpu.iota {dimensions = array<i32: 1>} : vector<64x64xi32>
    %eq3A = arith.cmpi eq, %iota3A, %iota3A_0 : vector<64x64xi32>
    %jit3A = arith.constant 1.000000e+00 : f32
    %jit3A_1 = arith.constant 0.000000e+00 : f32
    %broadcast_in_dim3A = vector.broadcast %jit3A : f32 to vector<64x64xf32>
    %broadcast_in_dim3A_2 = vector.broadcast %jit3A_1 : f32 to vector<64x64xf32>
    %select_n3A = arith.select %eq3A, %broadcast_in_dim3A, %broadcast_in_dim3A_2 : vector<64x64xi1>, vector<64x64xf32>
    %convert_element_type3A = arith.truncf %select_n3A : vector<64x64xf32> to vector<64x64xbf16>
    %get3A = arith.constant 0 : index
    %get3A_3 = arith.constant 0 : index
    %get3A_4 = vector.load %arg2[%get3A, %get3A_3] : memref<64x8192xf32, #tpu.memory_space<vmem>>, vector<64x8192xf32>
    %convert_element_type3A_5 = arith.truncf %get3A_4 : vector<64x8192xf32> to vector<64x8192xbf16>
    %dot_general3A = arith.constant dense<0.000000e+00> : vector<8192x64xf32>
    %dot_general3A_6 = tpu.matmul %convert_element_type3A_5, %convert_element_type3A, %dot_general3A {dimension_numbers = #tpu.dot_dimension_numbers<[0], [0], [1], [1], [0, 1, 1, 1], [], []>, transpose_lhs_hint = false} : vector<64x8192xbf16>, vector<64x64xbf16>, vector<8192x64xf32> -> vector<8192x64xf32>
    %bitcast_convert_type3A = tpu.bitcast %dot_general3A_6 : vector<8192x64xf32> -> vector<8192x64xi32>
    %and3A = arith.constant -65536 : i32
    %and3A_7 = vector.broadcast %and3A : i32 to vector<8192x64xi32>
    %and3A_8 = arith.andi %bitcast_convert_type3A, %and3A_7 : vector<8192x64xi32>
    %get3A_9 = arith.constant 0 : index
    %get3A_10 = arith.constant 0 : index
    %get3A_11 = vector.load %arg1[%get3A_9, %get3A_10] : memref<64x8192xf32, #tpu.memory_space<vmem>>, vector<64x8192xf32>
    %convert_element_type3A_12 = arith.truncf %get3A_11 : vector<64x8192xf32> to vector<64x8192xbf16>
    %dot_general3A_13 = arith.constant dense<0.000000e+00> : vector<8192x64xf32>
    %dot_general3A_14 = tpu.matmul %convert_element_type3A_12, %convert_element_type3A, %dot_general3A_13 {dimension_numbers = #tpu.dot_dimension_numbers<[0], [0], [1], [1], [0, 1, 1, 1], [], []>, transpose_lhs_hint = false} : vector<64x8192xbf16>, vector<64x64xbf16>, vector<8192x64xf32> -> vector<8192x64xf32>
    %bitcast_convert_type3A_15 = tpu.bitcast %dot_general3A_14 : vector<8192x64xf32> -> vector<8192x64xi32>
    %shift_right_logical3A = arith.constant 16 : i32
    %shift_right_logical3A_16 = vector.broadcast %shift_right_logical3A : i32 to vector<8192x64xi32>
    %shift_right_logical3A_17 = arith.shrui %bitcast_convert_type3A_15, %shift_right_logical3A_16 : vector<8192x64xi32>
    %or3A = arith.ori %and3A_8, %shift_right_logical3A_17 : vector<8192x64xi32>
    %bitcast_convert_type3A_18 = tpu.bitcast %or3A : vector<8192x64xi32> -> vector<8192x64xi32>
    %swap3A = arith.constant 0 : index
    %swap3A_19 = arith.constant 0 : index
    %swap3A_20 = vector.load %arg5[%swap3A, %swap3A_19] : memref<8192x128xi32, #tpu.memory_space<vmem>>, vector<8192x64xi32>
    tpu.vector_store %arg5[%swap3A, %swap3A_19], %bitcast_convert_type3A_18 {strides = array<i32>} : memref<8192x128xi32, #tpu.memory_space<vmem>>, vector<8192x64xi32>,
    %get3A_21 = arith.constant 0 : index
    %get3A_22 = arith.constant 0 : index
    %get3A_23 = vector.load %arg4[%get3A_21, %get3A_22] : memref<64x8192xf32, #tpu.memory_space<vmem>>, vector<64x8192xf32>
    %convert_element_type3A_24 = arith.truncf %get3A_23 : vector<64x8192xf32> to vector<64x8192xbf16>
    %dot_general3A_25 = arith.constant dense<0.000000e+00> : vector<8192x64xf32>
    %dot_general3A_26 = tpu.matmul %convert_element_type3A_24, %convert_element_type3A, %dot_general3A_25 {dimension_numbers = #tpu.dot_dimension_numbers<[0], [0], [1], [1], [0, 1, 1, 1], [], []>, transpose_lhs_hint = false} : vector<64x8192xbf16>, vector<64x64xbf16>, vector<8192x64xf32> -> vector<8192x64xf32>
    %bitcast_convert_type3A_27 = tpu.bitcast %dot_general3A_26 : vector<8192x64xf32> -> vector<8192x64xi32>
    %and3A_28 = arith.constant -65536 : i32
    %and3A_29 = vector.broadcast %and3A_28 : i32 to vector<8192x64xi32>
    %and3A_30 = arith.andi %bitcast_convert_type3A_27, %and3A_29 : vector<8192x64xi32>
    %get3A_31 = arith.constant 0 : index
    %get3A_32 = arith.constant 0 : index
    %get3A_33 = vector.load %arg3[%get3A_31, %get3A_32] : memref<64x8192xf32, #tpu.memory_space<vmem>>, vector<64x8192xf32>
    %convert_element_type3A_34 = arith.truncf %get3A_33 : vector<64x8192xf32> to vector<64x8192xbf16>
    %dot_general3A_35 = arith.constant dense<0.000000e+00> : vector<8192x64xf32>
    %dot_general3A_36 = tpu.matmul %convert_element_type3A_34, %convert_element_type3A, %dot_general3A_35 {dimension_numbers = #tpu.dot_dimension_numbers<[0], [0], [1], [1], [0, 1, 1, 1], [], []>, transpose_lhs_hint = false} : vector<64x8192xbf16>, vector<64x64xbf16>, vector<8192x64xf32> -> vector<8192x64xf32>
    %bitcast_convert_type3A_37 = tpu.bitcast %dot_general3A_36 : vector<8192x64xf32> -> vector<8192x64xi32>
    %shift_right_logical3A_38 = arith.constant 16 : i32
    %shift_right_logical3A_39 = vector.broadcast %shift_right_logical3A_38 : i32 to vector<8192x64xi32>
    %shift_right_logical3A_40 = arith.shrui %bitcast_convert_type3A_37, %shift_right_logical3A_39 : vector<8192x64xi32>
    %or3A_41 = arith.ori %and3A_30, %shift_right_logical3A_40 : vector<8192x64xi32>
    %bitcast_convert_type3A_42 = tpu.bitcast %or3A_41 : vector<8192x64xi32> -> vector<8192x64xi32>
    %swap3A_43 = arith.constant 0 : index
    %swap3A_44 = arith.constant 64 : index
    %swap3A_45 = vector.load %arg5[%swap3A_43, %swap3A_44] : memref<8192x128xi32, #tpu.memory_space<vmem>>, vector<8192x64xi32>
    tpu.vector_store %arg5[%swap3A_43, %swap3A_44], %bitcast_convert_type3A_42 {strides = array<i32>} : memref<8192x128xi32, #tpu.memory_space<vmem>>, vector<8192x64xi32>,
    return
  }
  func.func @transform_0(%arg0: i32) -> (i32, i32) {
    %mul3A = arith.constant 4 : i32
    %mul3A_0 = arith.muli %mul3A, %arg0 : i32
    %add3A = arith.constant 0 : i32
    %add3A_1 = arith.addi %mul3A_0, %add3A : i32
    %min3A = arith.constant 122 : i32
    %min3A_2 = arith.minsi %add3A_1, %min3A : i32
    %c0_i32 = arith.constant 0 : i32
    %c0_i32_3 = arith.constant 0 : i32
    return %c0_i32, %min3A_2 : i32, i32
  }
  func.func @transform_1(%arg0: i32) -> (i32, i32) {
    %mul3A = arith.constant 4 : i32
    %mul3A_0 = arith.muli %mul3A, %arg0 : i32
    %add3A = arith.constant 1 : i32
    %add3A_1 = arith.addi %mul3A_0, %add3A : i32
    %min3A = arith.constant 122 : i32
    %min3A_2 = arith.minsi %add3A_1, %min3A : i32
    %c0_i32 = arith.constant 0 : i32
    %c0_i32_3 = arith.constant 0 : i32
    return %c0_i32, %min3A_2 : i32, i32
  }
  func.func @transform_2(%arg0: i32) -> (i32, i32) {
    %mul3A = arith.constant 4 : i32
    %mul3A_0 = arith.muli %mul3A, %arg0 : i32
    %add3A = arith.constant 2 : i32
    %add3A_1 = arith.addi %mul3A_0, %add3A : i32
    %min3A = arith.constant 122 : i32
    %min3A_2 = arith.minsi %add3A_1, %min3A : i32
    %c0_i32 = arith.constant 0 : i32
    %c0_i32_3 = arith.constant 0 : i32
    return %c0_i32, %min3A_2 : i32, i32
  }
  func.func @transform_3(%arg0: i32) -> (i32, i32) {
    %mul3A = arith.constant 4 : i32
    %mul3A_0 = arith.muli %mul3A, %arg0 : i32
    %add3A = arith.constant 3 : i32
    %add3A_1 = arith.addi %mul3A_0, %add3A : i32
    %min3A = arith.constant 122 : i32
    %min3A_2 = arith.minsi %add3A_1, %min3A : i32
    %c0_i32 = arith.constant 0 : i32
    %c0_i32_3 = arith.constant 0 : i32
    return %c0_i32, %min3A_2 : i32, i32
  }
  func.func @transform_4(%arg0: i32) -> (i32, i32) {
    %c0_i32 = arith.constant 0 : i32
    %c0_i32_0 = arith.constant 0 : i32
    return %arg0, %c0_i32 : i32, i32
  }
}

module attributes {stable_mosaic.version = 14 : i64} {
  func.func @body(%arg0: i32, %arg1: memref<2048x1xi32, #tpu.memory_space<vmem>>, %arg2: memref<2048x1xi32, #tpu.memory_space<vmem>>, %arg3: memref<2048x128xi32, #tpu.memory_space<vmem>>, %arg4: memref<2048x128xi32, #tpu.memory_space<vmem>>, %arg5: memref<1x1xf32, #tpu.memory_space<smem>>) attributes {dimension_semantics = [#tpu.dimension_semantics<arbitrary>], iteration_bounds = array<i64: 8>, scalar_prefetch = 0 : i64, scratch_operands = 0 : i64, tpu.core_type = #tpu.core_type<tc>, window_params = [{transform_indices = @transform_0, window_bounds = array<i64: 2048, 1>}, {transform_indices = @transform_1, window_bounds = array<i64: 2048, 1>}, {transform_indices = @transform_2, window_bounds = array<i64: 2048, 128>}, {transform_indices = @transform_3, window_bounds = array<i64: 2048, 128>}, {transform_indices = @transform_4, window_bounds = array<i64: 1, 1>}]} {
    %get3A = arith.constant 0 : index
    %get3A_0 = arith.constant 0 : index
    %get3A_1 = vector.load %arg3[%get3A, %get3A_0] : memref<2048x128xi32, #tpu.memory_space<vmem>>, vector<2048x128xi32>
    %get3A_2 = arith.constant 0 : index
    %get3A_3 = arith.constant 0 : index
    %get3A_4 = vector.load %arg1[%get3A_2, %get3A_3] : memref<2048x1xi32, #tpu.memory_space<vmem>>, vector<2048x1xi32>
    %slice3A = vector.extract_strided_slice %get3A_1 {offsets = [0, 0], sizes = [2048, 64], strides = [1, 1]} : vector<2048x128xi32> to vector<2048x64xi32>
    %shift_left3A = arith.constant 16 : i32
    %shift_left3A_5 = vector.broadcast %shift_left3A : i32 to vector<2048x64xi32>
    %shift_left3A_6 = arith.shli %slice3A, %shift_left3A_5 : vector<2048x64xi32>
    %bitcast_convert_type3A = tpu.bitcast %shift_left3A_6 : vector<2048x64xi32> -> vector<2048x64xf32>
    %slice3A_7 = vector.extract_strided_slice %get3A_1 {offsets = [0, 0], sizes = [2048, 64], strides = [1, 1]} : vector<2048x128xi32> to vector<2048x64xi32>
    %and3A = arith.constant -65536 : i32
    %and3A_8 = vector.broadcast %and3A : i32 to vector<2048x64xi32>
    %and3A_9 = arith.andi %slice3A_7, %and3A_8 : vector<2048x64xi32>
    %bitcast_convert_type3A_10 = tpu.bitcast %and3A_9 : vector<2048x64xi32> -> vector<2048x64xf32>
    %slice3A_11 = vector.extract_strided_slice %get3A_1 {offsets = [0, 64], sizes = [2048, 64], strides = [1, 1]} : vector<2048x128xi32> to vector<2048x64xi32>
    %shift_left3A_12 = arith.constant 16 : i32
    %shift_left3A_13 = vector.broadcast %shift_left3A_12 : i32 to vector<2048x64xi32>
    %shift_left3A_14 = arith.shli %slice3A_11, %shift_left3A_13 : vector<2048x64xi32>
    %bitcast_convert_type3A_15 = tpu.bitcast %shift_left3A_14 : vector<2048x64xi32> -> vector<2048x64xf32>
    %slice3A_16 = vector.extract_strided_slice %get3A_1 {offsets = [0, 64], sizes = [2048, 64], strides = [1, 1]} : vector<2048x128xi32> to vector<2048x64xi32>
    %and3A_17 = arith.constant -65536 : i32
    %and3A_18 = vector.broadcast %and3A_17 : i32 to vector<2048x64xi32>
    %and3A_19 = arith.andi %slice3A_16, %and3A_18 : vector<2048x64xi32>
    %bitcast_convert_type3A_20 = tpu.bitcast %and3A_19 : vector<2048x64xi32> -> vector<2048x64xf32>
    %shift_right_arithmetic3A = arith.constant 13 : i32
    %shift_right_arithmetic3A_21 = vector.broadcast %shift_right_arithmetic3A : i32 to vector<2048x1xi32>
    %shift_right_arithmetic3A_22 = arith.shrsi %get3A_4, %shift_right_arithmetic3A_21 : vector<2048x1xi32>
    %and3A_23 = arith.constant 3 : i32
    %and3A_24 = vector.broadcast %and3A_23 : i32 to vector<2048x1xi32>
    %and3A_25 = arith.andi %shift_right_arithmetic3A_22, %and3A_24 : vector<2048x1xi32>
    %eq3A = arith.constant 0 : i32
    %eq3A_26 = vector.broadcast %eq3A : i32 to vector<2048x1xi32>
    %eq3A_27 = arith.cmpi eq, %and3A_25, %eq3A_26 : vector<2048x1xi32>
    %convert_element_type3A = arith.extui %eq3A_27 : vector<2048x1xi1> to vector<2048x1xi32>
    %convert_element_type3A_28 = arith.sitofp %convert_element_type3A : vector<2048x1xi32> to vector<2048x1xf32>
    %eq3A_29 = arith.constant 1 : i32
    %eq3A_30 = vector.broadcast %eq3A_29 : i32 to vector<2048x1xi32>
    %eq3A_31 = arith.cmpi eq, %and3A_25, %eq3A_30 : vector<2048x1xi32>
    %convert_element_type3A_32 = arith.extui %eq3A_31 : vector<2048x1xi1> to vector<2048x1xi32>
    %convert_element_type3A_33 = arith.sitofp %convert_element_type3A_32 : vector<2048x1xi32> to vector<2048x1xf32>
    %eq3A_34 = arith.constant 2 : i32
    %eq3A_35 = vector.broadcast %eq3A_34 : i32 to vector<2048x1xi32>
    %eq3A_36 = arith.cmpi eq, %and3A_25, %eq3A_35 : vector<2048x1xi32>
    %convert_element_type3A_37 = arith.extui %eq3A_36 : vector<2048x1xi1> to vector<2048x1xi32>
    %convert_element_type3A_38 = arith.sitofp %convert_element_type3A_37 : vector<2048x1xi32> to vector<2048x1xf32>
    %eq3A_39 = arith.constant 3 : i32
    %eq3A_40 = vector.broadcast %eq3A_39 : i32 to vector<2048x1xi32>
    %eq3A_41 = arith.cmpi eq, %and3A_25, %eq3A_40 : vector<2048x1xi32>
    %convert_element_type3A_42 = arith.extui %eq3A_41 : vector<2048x1xi1> to vector<2048x1xi32>
    %convert_element_type3A_43 = arith.sitofp %convert_element_type3A_42 : vector<2048x1xi32> to vector<2048x1xf32>
    %mul3A = vector.broadcast %convert_element_type3A_28 : vector<2048x1xf32> to vector<2048x64xf32>
    %mul3A_44 = arith.mulf %mul3A, %bitcast_convert_type3A : vector<2048x64xf32>
    %mul3A_45 = vector.broadcast %convert_element_type3A_33 : vector<2048x1xf32> to vector<2048x64xf32>
    %mul3A_46 = arith.mulf %mul3A_45, %bitcast_convert_type3A_10 : vector<2048x64xf32>
    %add3A = arith.addf %mul3A_44, %mul3A_46 : vector<2048x64xf32>
    %mul3A_47 = vector.broadcast %convert_element_type3A_38 : vector<2048x1xf32> to vector<2048x64xf32>
    %mul3A_48 = arith.mulf %mul3A_47, %bitcast_convert_type3A_15 : vector<2048x64xf32>
    %add3A_49 = arith.addf %add3A, %mul3A_48 : vector<2048x64xf32>
    %mul3A_50 = vector.broadcast %convert_element_type3A_43 : vector<2048x1xf32> to vector<2048x64xf32>
    %mul3A_51 = arith.mulf %mul3A_50, %bitcast_convert_type3A_20 : vector<2048x64xf32>
    %add3A_52 = arith.addf %add3A_49, %mul3A_51 : vector<2048x64xf32>
    %get3A_53 = arith.constant 0 : index
    %get3A_54 = arith.constant 0 : index
    %get3A_55 = vector.load %arg4[%get3A_53, %get3A_54] : memref<2048x128xi32, #tpu.memory_space<vmem>>, vector<2048x128xi32>
    %get3A_56 = arith.constant 0 : index
    %get3A_57 = arith.constant 0 : index
    %get3A_58 = vector.load %arg2[%get3A_56, %get3A_57] : memref<2048x1xi32, #tpu.memory_space<vmem>>, vector<2048x1xi32>
    %slice3A_59 = vector.extract_strided_slice %get3A_55 {offsets = [0, 0], sizes = [2048, 64], strides = [1, 1]} : vector<2048x128xi32> to vector<2048x64xi32>
    %shift_left3A_60 = arith.constant 16 : i32
    %shift_left3A_61 = vector.broadcast %shift_left3A_60 : i32 to vector<2048x64xi32>
    %shift_left3A_62 = arith.shli %slice3A_59, %shift_left3A_61 : vector<2048x64xi32>
    %bitcast_convert_type3A_63 = tpu.bitcast %shift_left3A_62 : vector<2048x64xi32> -> vector<2048x64xf32>
    %slice3A_64 = vector.extract_strided_slice %get3A_55 {offsets = [0, 0], sizes = [2048, 64], strides = [1, 1]} : vector<2048x128xi32> to vector<2048x64xi32>
    %and3A_65 = arith.constant -65536 : i32
    %and3A_66 = vector.broadcast %and3A_65 : i32 to vector<2048x64xi32>
    %and3A_67 = arith.andi %slice3A_64, %and3A_66 : vector<2048x64xi32>
    %bitcast_convert_type3A_68 = tpu.bitcast %and3A_67 : vector<2048x64xi32> -> vector<2048x64xf32>
    %slice3A_69 = vector.extract_strided_slice %get3A_55 {offsets = [0, 64], sizes = [2048, 64], strides = [1, 1]} : vector<2048x128xi32> to vector<2048x64xi32>
    %shift_left3A_70 = arith.constant 16 : i32
    %shift_left3A_71 = vector.broadcast %shift_left3A_70 : i32 to vector<2048x64xi32>
    %shift_left3A_72 = arith.shli %slice3A_69, %shift_left3A_71 : vector<2048x64xi32>
    %bitcast_convert_type3A_73 = tpu.bitcast %shift_left3A_72 : vector<2048x64xi32> -> vector<2048x64xf32>
    %slice3A_74 = vector.extract_strided_slice %get3A_55 {offsets = [0, 64], sizes = [2048, 64], strides = [1, 1]} : vector<2048x128xi32> to vector<2048x64xi32>
    %and3A_75 = arith.constant -65536 : i32
    %and3A_76 = vector.broadcast %and3A_75 : i32 to vector<2048x64xi32>
    %and3A_77 = arith.andi %slice3A_74, %and3A_76 : vector<2048x64xi32>
    %bitcast_convert_type3A_78 = tpu.bitcast %and3A_77 : vector<2048x64xi32> -> vector<2048x64xf32>
    %shift_right_arithmetic3A_79 = arith.constant 13 : i32
    %shift_right_arithmetic3A_80 = vector.broadcast %shift_right_arithmetic3A_79 : i32 to vector<2048x1xi32>
    %shift_right_arithmetic3A_81 = arith.shrsi %get3A_58, %shift_right_arithmetic3A_80 : vector<2048x1xi32>
    %and3A_82 = arith.constant 3 : i32
    %and3A_83 = vector.broadcast %and3A_82 : i32 to vector<2048x1xi32>
    %and3A_84 = arith.andi %shift_right_arithmetic3A_81, %and3A_83 : vector<2048x1xi32>
    %eq3A_85 = arith.constant 0 : i32
    %eq3A_86 = vector.broadcast %eq3A_85 : i32 to vector<2048x1xi32>
    %eq3A_87 = arith.cmpi eq, %and3A_84, %eq3A_86 : vector<2048x1xi32>
    %convert_element_type3A_88 = arith.extui %eq3A_87 : vector<2048x1xi1> to vector<2048x1xi32>
    %convert_element_type3A_89 = arith.sitofp %convert_element_type3A_88 : vector<2048x1xi32> to vector<2048x1xf32>
    %eq3A_90 = arith.constant 1 : i32
    %eq3A_91 = vector.broadcast %eq3A_90 : i32 to vector<2048x1xi32>
    %eq3A_92 = arith.cmpi eq, %and3A_84, %eq3A_91 : vector<2048x1xi32>
    %convert_element_type3A_93 = arith.extui %eq3A_92 : vector<2048x1xi1> to vector<2048x1xi32>
    %convert_element_type3A_94 = arith.sitofp %convert_element_type3A_93 : vector<2048x1xi32> to vector<2048x1xf32>
    %eq3A_95 = arith.constant 2 : i32
    %eq3A_96 = vector.broadcast %eq3A_95 : i32 to vector<2048x1xi32>
    %eq3A_97 = arith.cmpi eq, %and3A_84, %eq3A_96 : vector<2048x1xi32>
    %convert_element_type3A_98 = arith.extui %eq3A_97 : vector<2048x1xi1> to vector<2048x1xi32>
    %convert_element_type3A_99 = arith.sitofp %convert_element_type3A_98 : vector<2048x1xi32> to vector<2048x1xf32>
    %eq3A_100 = arith.constant 3 : i32
    %eq3A_101 = vector.broadcast %eq3A_100 : i32 to vector<2048x1xi32>
    %eq3A_102 = arith.cmpi eq, %and3A_84, %eq3A_101 : vector<2048x1xi32>
    %convert_element_type3A_103 = arith.extui %eq3A_102 : vector<2048x1xi1> to vector<2048x1xi32>
    %convert_element_type3A_104 = arith.sitofp %convert_element_type3A_103 : vector<2048x1xi32> to vector<2048x1xf32>
    %mul3A_105 = vector.broadcast %convert_element_type3A_89 : vector<2048x1xf32> to vector<2048x64xf32>
    %mul3A_106 = arith.mulf %mul3A_105, %bitcast_convert_type3A_63 : vector<2048x64xf32>
    %mul3A_107 = vector.broadcast %convert_element_type3A_94 : vector<2048x1xf32> to vector<2048x64xf32>
    %mul3A_108 = arith.mulf %mul3A_107, %bitcast_convert_type3A_68 : vector<2048x64xf32>
    %add3A_109 = arith.addf %mul3A_106, %mul3A_108 : vector<2048x64xf32>
    %mul3A_110 = vector.broadcast %convert_element_type3A_99 : vector<2048x1xf32> to vector<2048x64xf32>
    %mul3A_111 = arith.mulf %mul3A_110, %bitcast_convert_type3A_73 : vector<2048x64xf32>
    %add3A_112 = arith.addf %add3A_109, %mul3A_111 : vector<2048x64xf32>
    %mul3A_113 = vector.broadcast %convert_element_type3A_104 : vector<2048x1xf32> to vector<2048x64xf32>
    %mul3A_114 = arith.mulf %mul3A_113, %bitcast_convert_type3A_78 : vector<2048x64xf32>
    %add3A_115 = arith.addf %add3A_112, %mul3A_114 : vector<2048x64xf32>
    %mul3A_116 = arith.mulf %add3A_52, %add3A_115 : vector<2048x64xf32>
    %reduce_sum3A = arith.constant dense<0.000000e+00> : vector<2048xf32>
    %reduce_sum3A_117 = vector.multi_reduction <add>, %mul3A_116, %reduce_sum3A [1] : vector<2048x64xf32> to vector<2048xf32>
    %broadcast_in_dim3A = vector.shape_cast %reduce_sum3A_117 : vector<2048xf32> to vector<2048x1xf32>
    %min3A = arith.constant 0.000000e+00 : f32
    %min3A_118 = vector.broadcast %min3A : f32 to vector<2048x1xf32>
    %min3A_119 = arith.minimumf %broadcast_in_dim3A, %min3A_118 : vector<2048x1xf32>
    %abs3A = math.absf %broadcast_in_dim3A : vector<2048x1xf32>
    %neg3A = arith.constant 0.000000e+00 : f32
    %neg3A_120 = vector.broadcast %neg3A : f32 to vector<2048x1xf32>
    %neg3A_121 = arith.subf %neg3A_120, %abs3A : vector<2048x1xf32>
    %exp3A = math.exp %neg3A_121 : vector<2048x1xf32>
    %log1p3A = math.log1p %exp3A : vector<2048x1xf32>
    %sub3A = arith.subf %min3A_119, %log1p3A : vector<2048x1xf32>
    %reduce_sum3A_122 = vector.shape_cast %sub3A : vector<2048x1xf32> to vector<1x2048x1xf32>
    %reduce_sum3A_123 = arith.constant dense<0.000000e+00> : vector<1xf32>
    %reduce_sum3A_124 = vector.multi_reduction <add>, %reduce_sum3A_122, %reduce_sum3A_123 [1, 2] : vector<1x2048x1xf32> to vector<1xf32>
    %reduce_sum3A_125 = vector.shape_cast %reduce_sum3A_124 : vector<1xf32> to vector<1x1x1xf32>
    %reduce_sum3A_126 = vector.extract %reduce_sum3A_125[0, 0, 0] : f32 from vector<1x1x1xf32>
    %neg3A_127 = arith.constant 0.000000e+00 : f32
    %neg3A_128 = arith.subf %neg3A_127, %reduce_sum3A_126 : f32
    %div3A = arith.constant 1.638400e+04 : f32
    %div3A_129 = arith.divf %neg3A_128, %div3A : f32
    %eq3A_130 = arith.constant 0 : i32
    %eq3A_131 = arith.cmpi eq, %arg0, %eq3A_130 : i32
    %convert_element_type3A_132 = arith.extui %eq3A_131 : i1 to i32
    %cond3A = arith.constant 0 : i32
    %cond3A_133 = arith.cmpi ne, %convert_element_type3A_132, %cond3A : i32
    scf.if %cond3A_133 {
      %swap3A_140 = arith.constant 0.000000e+00 : f32
      %swap3A_141 = arith.constant 0 : index
      %swap3A_142 = arith.constant 0 : index
      %swap3A_143 = memref.load %arg5[%swap3A_141, %swap3A_142] : memref<1x1xf32, #tpu.memory_space<smem>>
      memref.store %swap3A_140, %arg5[%swap3A_141, %swap3A_142] : memref<1x1xf32, #tpu.memory_space<smem>>
    } else {
    }
    %get3A_134 = arith.constant 0 : index
    %get3A_135 = arith.constant 0 : index
    %get3A_136 = memref.load %arg5[%get3A_134, %get3A_135] : memref<1x1xf32, #tpu.memory_space<smem>>
    %add3A_137 = arith.addf %get3A_136, %div3A_129 : f32
    %swap3A = arith.constant 0 : index
    %swap3A_138 = arith.constant 0 : index
    %swap3A_139 = memref.load %arg5[%swap3A, %swap3A_138] : memref<1x1xf32, #tpu.memory_space<smem>>
    memref.store %add3A_137, %arg5[%swap3A, %swap3A_138] : memref<1x1xf32, #tpu.memory_space<smem>>
    return
  }
  func.func @transform_0(%arg0: i32) -> (i32, i32) {
    %c0_i32 = arith.constant 0 : i32
    %c0_i32_0 = arith.constant 0 : i32
    return %arg0, %c0_i32 : i32, i32
  }
  func.func @transform_1(%arg0: i32) -> (i32, i32) {
    %c0_i32 = arith.constant 0 : i32
    %c0_i32_0 = arith.constant 0 : i32
    return %arg0, %c0_i32 : i32, i32
  }
  func.func @transform_2(%arg0: i32) -> (i32, i32) {
    %c0_i32 = arith.constant 0 : i32
    %c0_i32_0 = arith.constant 0 : i32
    return %arg0, %c0_i32 : i32, i32
  }
  func.func @transform_3(%arg0: i32) -> (i32, i32) {
    %c0_i32 = arith.constant 0 : i32
    %c0_i32_0 = arith.constant 0 : i32
    return %arg0, %c0_i32 : i32, i32
  }
  func.func @transform_4(%arg0: i32) -> (i32, i32) {
    %c0_i32 = arith.constant 0 : i32
    %c0_i32_0 = arith.constant 0 : i32
    %c0_i32_1 = arith.constant 0 : i32
    return %c0_i32, %c0_i32_0 : i32, i32
  }
}

</mosaic_0001>

<sc_bundles>
// kernel: kernel.10.cloned.1.call-start
scs
__scs_entry_jumppad:
0x0: {  	(pc) =	sbr.rel $0x88, $3  }
0x1: {  	(tag) =	ssettag $0x0;
	lr =	simm.s32 $0x1  }
0x2: {  	[smem:$0x3F9D] =	sst lr;
	_ =	strace $0xD0000000  }
0x3: {  	_ = 	snop  }
0x4: {  	_ = 	snop  }
0x5: {  	_ = 	snop  }
0x6: {  	_ = 	snop  }
0x7: {  	_ = 	snop  }
__scs_overlays_trampoline_lowered:
0x8: {  	[smem:$0x3FAC] =	sst s0  }
0x9: {  	[smem:$0x3FAD] =	sst s1  }
0xa: {  	[smem:$0x3FAE] =	sst s2  }
0xb: {  	[smem:$0x3FAF] =	sst s3  }
0xc: {  	[smem:$0x3FB0] =	sst s4  }
0xd: {  	[smem:$0x3FB1] =	sst s5  }
0xe: {  	[smem:$0x3FB2] =	sst s6  }
0xf: {  	[smem:$0x3FB3] =	sst s7  }
0x10: {  	[smem:$0x3FB4] =	sst s8  }
0x11: {  	[smem:$0x3FB5] =	sst s9;
	s0 =	simm.s32 @!p0 $0x0  }
0x12: {  	s1 =	sld [smem:$0x3F9B];
	s0 =	simm.s32 @p0 $0x1  }
0x13: {  	[smem:$0x3FB6] =	sst s0;
	s0 =	simm.s32 @!p1 $0x0  }
0x14: {  	s2 =	sld [smem:$0x3F9A];
	s0 =	simm.s32 @p1 $0x1  }
0x15: {  	[smem:$0x3FB7] =	sst s0;
	s0 =	simm.s32 @!p2 $0x0  }
0x16: {  	s3 =	sld [smem:$0x3FDB];
	s0 =	simm.s32 @p2 $0x1  }
0x17: {  	s4 =	simm.s32 $0x1BF5;
	[smem:$0x3FB9] =	sst s0  }
0x18: {  	s0 =	sld [smem:$0x3F9C];
	_ =	swait.ge [sflag:s4], $0x0  }
0x19: {  	s7 =	sld [smem:$0x3F9D]  }
0x1a: {  	s8 =	sadd.s32 $0xFFFFE003, lr  }
0x1b: {  	s9 =	sadd.s32 $0xFFFFFEF7, lr;
	s5 =	simm.s32 $0xFFFFFFFF;
	p2 =	slt.u32 s8, $0xFFFFF086  }
0x1c: {  	p1 =	slt.u32 s9, $0xF7A;
	s5 =	simm.s32 @!p2 $0x0  }
0x1d: {  	s5 =	simm.s32 @p1 $0x1;
	p0 =	seq.s32 s7, s2  }
0x1e: {  	s7 =	smul.u32 @!p0 $0xF7A, s2;
	p2 =	seq.s32 @!p0 s5, $0x0  }
0x1f: {  	s9 =	smul.u32 $0xF7A, s1;
	s8 =	simm.s32 @!p0 $0x1BF5;
	p2 =	por !p2, p0  }
0x20: {  	[sflag:s8] =	ssyncset.s32 @!p0 $0xFFFFF086;
	s6 =	sadd.s32 @!p0 s3, s7;
	s7 =	simm.s32 @!p0 $0x108  }
0x21: {  	s3 =	sadd.s32 s3, s9;
	s6 =	sadd.s32 @!p0 $0x88, s6;
	s7 =	simm.s32 @p2 $0x1082  }
0x22: {  	[simem:s7], [sflag:s8] =	dma.local @!p0 [hbm:s6], $0xF7A  }
0x23: {  	s9 =	sor.u32 $0xD0000000, s2;
	s6 =	simm.s32 $0x108;
	_ =	swait.ge @!p0 [sflag:s8], $0x0  }
0x24: {  	s3 =	sadd.s32 $0x88, s3;
	s6 =	simm.s32 @!p1 $0x1082;
	[sflag:s4] =	ssyncset.s32 $0xFFFFF086  }
0x25: {  	[simem:s6], [sflag:s4] =	dma.local [hbm:s3], $0xF7A  }
0x26: {  	[smem:$0x3F9D] =	sst s1;
	(tag) =	ssettag s2;
	_ =	strace s9  }
0x27: {  	s1 =	sld [smem:$0x3FAD]  }
0x28: {  	s2 =	sld [smem:$0x3FAE]  }
0x29: {  	s4 =	sld [smem:$0x3FB0]  }
0x2a: {  	p0 =	seq.s32 s5, $0x0;
	s5 =	sld [smem:$0x3FB1]  }
0x2b: {  	s6 =	sld [smem:$0x3FB2]  }
0x2c: {  	s7 =	sld [smem:$0x3FB3]  }
0x2d: {  	s3 =	simm.s32 $0x108;
	s8 =	sld [smem:$0x3FB4]  }
0x2e: {  	s3 =	simm.s32 @!p0 $0x1082;
	s9 =	sld [smem:$0x3FB5]  }
0x2f: {  	lr =	sadd.s32 s0, s3;
	s0 =	sld [smem:$0x3FAC]  }
0x30: {  	s3 =	sld [smem:$0x3FAF]  }
0x31: {  	[smem:$0x3FB8] =	sst s10  }
0x32: {  	s10 =	sld [smem:$0x3FB6];
	_ =	sdelay $0x3  }
0x33: {  	p0 =	seq.s32 s10, $0x1;
	s10 =	sld [smem:$0x3FB8];
	_ =	sdelay $0x3  }
0x34: {  	[smem:$0x3FB8] =	sst s10  }
0x35: {  	s10 =	sld [smem:$0x3FB7];
	_ =	sdelay $0x3  }
0x36: {  	p1 =	seq.s32 s10, $0x1;
	s10 =	sld [smem:$0x3FB8];
	_ =	sdelay $0x3  }
0x37: {  	[smem:$0x3FB8] =	sst s10  }
0x38: {  	s10 =	sld [smem:$0x3FB9]  }
0x39: {  	_ = 	snop;
	(pc) =	sbr.ind lr, $3  }
0x3a: {  	_ = 	snop  }
0x3b: {  	_ = 	snop  }
0x3c: {  	p2 =	seq.s32 s10, $0x1;
	s10 =	sld [smem:$0x3FB8]  }
0x3d: {  	_ =	shalt  }
0x3e: {  	_ =	shalt  }
0x3f: {  	_ =	shalt  }
0x40: {  	_ =	shalt  }
0x41: {  	_ =	shalt  }
0x42: {  	_ =	shalt  }
0x43: {  	_ =	shalt  }
0x44: {  	_ =	shalt  }
0x45: {  	_ =	shalt  }
0x46: {  	_ =	shalt  }
0x47: {  	_ =	shalt  }
0x48: {  	_ =	shalt  }
0x49: {  	_ =	shalt  }
0x4a: {  	_ =	shalt  }
0x4b: {  	_ =	shalt  }
0x4c: {  	_ =	shalt  }
0x4d: {  	_ =	shalt  }
0x4e: {  	_ =	shalt  }
0x4f: {  	_ =	shalt  }
0x50: {  	_ =	shalt  }
0x51: {  	_ =	shalt  }
0x52: {  	_ =	shalt  }
0x53: {  	_ =	shalt  }
0x54: {  	_ =	shalt  }
0x55: {  	_ =	shalt  }
0x56: {  	_ =	shalt  }
0x57: {  	_ =	shalt  }
0x58: {  	_ =	shalt  }
0x59: {  	_ =	shalt  }
0x5a: {  	_ =	shalt  }
0x5b: {  	_ =	shalt  }
0x5c: {  	_ =	shalt  }
0x5d: {  	_ =	shalt  }
0x5e: {  	_ =	shalt  }
0x5f: {  	_ =	shalt  }
0x60: {  	_ =	shalt  }
0x61: {  	_ =	shalt  }
0x62: {  	_ =	shalt  }
0x63: {  	_ =	shalt  }
0x64: {  	_ =	shalt  }
0x65: {  	_ =	shalt  }
0x66: {  	_ =	shalt  }
0x67: {  	_ =	shalt  }
0x68: {  	_ =	shalt  }
0x69: {  	_ =	shalt  }
0x6a: {  	_ =	shalt  }
0x6b: {  	_ =	shalt  }
0x6c: {  	_ =	shalt  }
0x6d: {  	_ =	shalt  }
0x6e: {  	_ =	shalt  }
0x6f: {  	_ =	shalt  }
0x70: {  	_ =	shalt  }
0x71: {  	_ =	shalt  }
0x72: {  	_ =	shalt  }
0x73: {  	_ =	shalt  }
0x74: {  	_ =	shalt  }
0x75: {  	_ =	shalt  }
0x76: {  	_ =	shalt  }
0x77: {  	_ =	shalt  }
0x78: {  	_ =	shalt  }
0x79: {  	_ =	shalt  }
0x7a: {  	_ =	shalt  }
0x7b: {  	_ =	shalt  }
0x7c: {  	_ =	shalt  }
0x7d: {  	_ =	shalt  }
0x7e: {  	_ =	shalt  }
0x7f: {  	_ =	shalt  }
0x80: {  	_ =	shalt  }
0x81: {  	_ =	shalt  }
0x82: {  	_ =	shalt  }
0x83: {  	_ =	shalt  }
0x84: {  	_ =	shalt  }
0x85: {  	_ =	shalt  }
0x86: {  	_ =	shalt  }
0x87: {  	_ =	shalt  }
.Lfunc_end0:
.L_simem_size_0:
called_computation.1_lowered:
.L_overlay_start_0:
0x88: {  	s2 =	sld [smem:$0x3FD9]  }
0x89: {  	s3 =	sld [smem:$0x3FFE];
	_ =	sdelay $0x1  }
0x8a: {  	s1 =	srdreg.scid  }
0x8b: {  	s0 =	sand.u32 $0x1, s1  }
0x8c: {  	s17 =	sshll.u32 s0, $0xA;
	s2 =	sadd.s32 s3, s2  }
0x8d: {  	s2 =	sadd.s32 s2, s17  }
0x8e: {  	[smem:$0x3FC4] =	sst s2  }
0x8f: {  	_ = 	snop  }
0x90: {  	s2 =	sld [smem:$0x3FC8];
	(tm) =	ssettm $0x1  }
0x91: {  	s18 =	sld [smem:$0x3FFB];
	_ =	sdelay $0x3  }
0x92: {  	_ =	strace s18  }
0x93: {  	s3 =	sld [smem:$0x3FFC];
	_ =	sdelay $0x3  }
0x94: {  	_ =	strace s3  }
0x95: {  	s3 =	sld [smem:$0x3FFD];
	_ =	sdelay $0x3  }
0x96: {  	_ =	strace s3  }
0x97: {  	_ =	strace $0x8FFFFFFF  }
0x98: {  	s19 =	sld [smem:$0x3FDB];
	_ =	sdelay $0x1  }
0x99: {  	s4 =	simm.s32 $_scs_section_size  }
0x9a: {  	s5 =	simm.s32 $_size__tile_overlayer_lowered;
	s6 =	simm.s32 $_tile_overlayer_lowered  }
0x9b: {  	s22 =	simm.s32 $0x1BFF;
	s21 =	sshll.u32 s6, $0x1;
	s3 =	sadd.s32 s4, s19  }
0x9c: {  	s7 =	simm.s32 $0x0;
	s20 =	sshll.u32 s5, $0x1;
	s5 =	sadd.s32 s21, s3  }
0x9d: {  	[timem:s7], [sflag:s22] =	dma.local [hbm:s5], s20  }
0x9e: {  	_ =	swait.ge [sflag:s22], s20  }
0x9f: {  	s4 =	ssub.s32 $0x0, s20;
	[sflag:s22] =	ssyncset.done $0x0  }
0xa0: {  	[sflag:s22] =	ssyncadd.s32 s4;
	_ =	sdelay $0x1  }
0xa1: {  	s23 =	simm.s32 $0x1B8B  }
0xa2: {  	_ =	swait.ge [sflag:s23], $0x1  }
0xa3: {  	[sflag:s23] =	ssyncset.done $0x0  }
0xa4: {  	s25 =	simm.s32 $0x1B8E;
	s24 =	sld [smem:$0x3FFE];
	[sflag:s23] =	ssyncadd.s32 $0xFFFFFFFF  }
0xa5: {  	s26 =	simm.s32 $execute0_lowered;
	[smem:$0x3FD2] =	sst s25  }
0xa6: {  	s5 =	sshll.u32 s26, $0x1;
	_ =	strace $0x80000046;
	[dreg:$0x1] =	wrdreg $0xFFFFFFFF  }
0xa7: {  	s28 =	simm.s32 $_size_execute0_lowered;
	s3 =	sadd.s32 s3, s5;
	[dreg:$0x0] =	wrdreg $0x0  }
0xa8: {  	s5 =	sshll.u32 s28, $0x1;
	[dreg:$0x2] =	wrdreg s3  }
0xa9: {  	[dreg:$0x3] =	wrdreg s5  }
0xaa: {  	[dreg:$0x4] =	wrdreg $0xC0  }
0xab: {  	_ =	task [dreg:s7], $0x5FFFF  }
0xac: {  	[dreg:$0x1] =	wrdreg $0xFFFFFFFF  }
0xad: {  	[dreg:$0x0] =	wrdreg $0x60  }
0xae: {  	[dreg:$0x2] =	wrdreg s2  }
0xaf: {  	[dreg:$0x3] =	wrdreg s24  }
0xb0: {  	[dreg:$0x4] =	wrdreg $0xA  }
0xb1: {  	_ =	task.clear_ibuf [dreg:s7], $0x5FFFF;
	_ =	strace $0x90000046  }
0xb2: {  	s29 =	simm.s32 $0xA;
	_ =	strace $0x80000048  }
0xb3: {  	_ =	swait.ge [sflag:s29], $0x1  }
0xb4: {  	[sflag:s29] =	ssyncadd.s32 $0xFFFFFFFF  }
0xb5: {  	_ =	strace $0x90000048  }
0xb6: {  	_ =	sfence  }
0xb7: {  	s30 =	sld [smem:$0x0];
	_ =	sdelay $0x2  }
0xb8: {  	s31 =	sshll.u32 s1, $0xD;
	s1 =	sshrl.u32 s1, $0x2  }
0xb9: {  	s3 =	sand.u32 $0x4000, s31;
	s1 =	sadd.s32 s1, s30  }
0xba: {  	s0 =	sor.u32 s3, s0;
	s1 =	sshll.u32 s1, $0x11  }
0xbb: {  	s0 =	sor.u32 s1, s0  }
0xbc: {  	s0 =	sadd.s32 $0x8F2B, s0  }
0xbd: {  	[sflag:s0] =	ssyncadd.remote.s32 $0x1  }
0xbe: {  	_ =	sfence.sel $0xFFFF  }
0xbf: {  	[dreg:$0x0] =	wrdreg $0xFFFFFFFF;
	(pc) =	sbr.abs _section_cstart, $3  }
0xc0: {  	[dreg:$0x1] =	wrdreg $0xFFFFFFFF  }
0xc1: {  	_ =	task.clear_ibuf [dreg:s7], $0x2FFFF;
	_ =	strace $0x9FFFFFFF  }
0xc2: {  	(tm) =	ssettm $0x7FFFFFFF  }
0xc3: {  	_ =	shalt  }
tec
execute0_lowered:
.L_overlay_start_1:
0x0: {  	(tag) =	ssettag $0x1  }
0x1: {  	s4 =	rddreg [dreg:$0x0]  }
0x2: {  	s5 =	rddreg [dreg:$0x1]  }
0x3: {  	s0 =	rddreg [dreg:$0x2]  }
0x4: {  	s3 =	srdreg.scid;
	s2 =	simm.s32 $0x0;
	s1 =	stileid.u32  }
0x5: {  	s9 =	simm.s32 $0x400;
	s10 =	simm.s32 $0x1;
	s11 =	simm.s32 $0x0  }
0x6: {  	s6 =	sand.u32 $0x1, s3;
	[smem:$0x7FF] =	sst s2;
	s30 =	sshll.u32 s1, $0xA  }
0x7: {  	s3 =	sadd.s32 $0xC00, s5;
	s7 =	sshll.u32 s6, $0x9;
	s6 =	ssub.s32 $0x2, s6  }
0x8: {  	_ =	strace $0x80000047;
	s7 =	sor.u32 s7, s30;
	s31 =	sshrl.u32 s6, $0x1  }
0x9: {  	s8 =	sshll.u32 s7, $0x4;
	s7 =	sshrl.u32 s7, $0x3;
	s6 =	ssub.s32 s6, s31  }
0xa: {  	s5 =	sadd.s32 s8, s5;
	s4 =	sadd.s32 s4, s7;
	s6 =	smax.u32 s6, $0x1  }
0xb: {  	s7 =	simm.s32 $0x2;
	s8 =	simm.s32 $0x200;
	s5 =	sadd.s32 $0x3E0C00, s5  }
.LBB2_1:
0xc: {  	[tilespmem:s2], [sflag:$0x2] =	stream.linear.gather [hbm4b:s4+s2], $0x200, $0x38;
	[tilespmem:$0x10400] =	vst v63  }
0xd: {  	_ =	swait.ge [sflag:s7], $0x200  }
0xe: {  	[sflag:s7] =	ssyncset.done $0x0  }
0xf: {  	s12 =	simm.s32 $0x0;
	[sflag:s7] =	ssyncadd.s32 $0xFFFFFE00  }
0x10: {  	s13 =	simm.s32 $0x40;
	v0 =	vld [tilespmem:s12+$0x0]  }
.LBB2_2:
0x11: {  	_ =	sdelay $0x1  }
0x12: {  	p0 =	sne.s32 s13, $0x7C0  }
.Ltmp0:
0x13: {  	_ = 	snop;
	(pc) =	sbr.rel @p0 .LBB2_2-.Ltmp0, $4  }
0x14: {  	v1 =	vshra.s32 v0, $0x2  }
0x15: {  	v2 =	vand.u32 $0x1FFF, v0;
	v1 =	vand.u32 $0xFFFFE000, v1  }
0x16: {  	s14 =	sshra.s32 s13, $0x2;
	v1 =	vor.u32 v2, v1  }
0x17: {  	s13 =	sadd.s32 $0x40, s13;
	v0 =	vld [tilespmem:s14+$0x0];
	[tilespmem:s12+$0x200] =	vst v1;
	s12 =	smov.u32 s14  }
0x18: {  	_ =	sdelay $0x3  }
0x19: {  	v1 =	vshra.s32 v0, $0x2  }
0x1a: {  	v63 =	vand.u32 $0x1FFF, v0;
	v1 =	vand.u32 $0xFFFFE000, v1  }
0x1b: {  	v0 =	vor.u32 v63, v1  }
0x1c: {  	[tilespmem:s12+$0x200] =	vst v0  }
0x1d: {  	[tilespmem:s9], [sflag:$0x1] =	stream.indirect.gather [hbm4b:s3+s8], $0x80, s8, s8, $0xb8;
	[tilespmem:$0x10400] =	vst v63  }
0x1e: {  	s11 =	sadd.s32 $0x1, s11;
	_ =	swait.ge [sflag:s10], $0x10000  }
0x1f: {  	p0 =	sne.s32 s11, s6;
	[sflag:s10] =	ssyncset.done $0x0  }
.Ltmp1:
0x20: {  	[sflag:s10] =	ssyncadd.s32 $0xFFFF0000;
	(pc) =	sbr.rel @p0 .LBB2_1-.Ltmp1, $4  }
0x21: {  	[hbm4b:s5+s2] =	stream.linear.scatter [tilespmem:s9], [sflag:$0x2], $0x10000, $0x38;
	[tilespmem:$0x10400] =	vst v63  }
0x22: {  	_ =	swait.ge [sflag:s7], $0x10000  }
0x23: {  	[sflag:s7] =	ssyncset.done $0x0  }
0x24: {  	[sflag:s7] =	ssyncadd.s32 $0xFFFF0000  }
0x25: {  	_ =	sfence.sel $0x180000  }
0x26: {  	[bflag:$0x0] =	sbarrier.arrive $0xFFFF  }
0x27: {  	p0 =	sne.s32 s1, $0x0;
	_ =	strace $0x90000047  }
0x28: {  	s0 =	sadd.s32 @!p0 $0x100000, s0;
	[bflag:$0x2] =	sbarrier.arrive $0xFFFF  }
0x29: {  	[sflag:s0] =	ssyncadd.tile.s32 @!p0 $0x1;
	_ =	shalt  }
.Lfunc_end2:
_tile_overlayer_lowered:
.L_overlay_start_2:
0x2a: {  	(tag) =	ssettag $0x2  }
0x2b: {  	s0 =	rddreg [dreg:$0x0];
	s2 =	stileid.u32  }
0x2c: {  	s1 =	rddreg [dreg:$0x1];
	p0 =	sne.s32 s2, $0x0  }
0x2d: {  	s3 =	rddreg [dreg:$0x2];
	[bflag:$0x3] =	sbarrier.arrive $0xFFFF;
	s2 =	simm.s32 @!p0 $0x1C02  }
0x2e: {  	[timem:s3], [sflag:s2] =	dma.local @!p0 [hbm:s0], s1  }
0x2f: {  	s0 =	simm.s32 @!p0 $0x2  }
0x30: {  	_ =	swait.ge @!p0 [sflag:s0], s1  }
0x31: {  	s1 =	ssub.s32 @!p0 $0x0, s1;
	[sflag:s0] =	ssyncset.done @!p0 $0x0  }
0x32: {  	[sflag:s0] =	ssyncadd.s32 @!p0 s1  }
0x33: {  	[bflag:$0x3] =	sbarrier.arrive $0xFFFF  }
0x34: {  	_ =	shalt  }

// kernel: kernel.7.cloned.1.call-start
scs
__scs_entry_jumppad:
0x0: {  	(pc) =	sbr.rel $0x88, $3  }
0x1: {  	(tag) =	ssettag $0x0;
	lr =	simm.s32 $0x1  }
0x2: {  	[smem:$0x3F9D] =	sst lr;
	_ =	strace $0xD0000000  }
0x3: {  	_ = 	snop  }
0x4: {  	_ = 	snop  }
0x5: {  	_ = 	snop  }
0x6: {  	_ = 	snop  }
0x7: {  	_ = 	snop  }
__scs_overlays_trampoline_lowered:
0x8: {  	[smem:$0x3FAC] =	sst s0  }
0x9: {  	[smem:$0x3FAD] =	sst s1  }
0xa: {  	[smem:$0x3FAE] =	sst s2  }
0xb: {  	[smem:$0x3FAF] =	sst s3  }
0xc: {  	[smem:$0x3FB0] =	sst s4  }
0xd: {  	[smem:$0x3FB1] =	sst s5  }
0xe: {  	[smem:$0x3FB2] =	sst s6  }
0xf: {  	[smem:$0x3FB3] =	sst s7  }
0x10: {  	[smem:$0x3FB4] =	sst s8  }
0x11: {  	[smem:$0x3FB5] =	sst s9;
	s0 =	simm.s32 @!p0 $0x0  }
0x12: {  	s1 =	sld [smem:$0x3F9B];
	s0 =	simm.s32 @p0 $0x1  }
0x13: {  	[smem:$0x3FB6] =	sst s0;
	s0 =	simm.s32 @!p1 $0x0  }
0x14: {  	s2 =	sld [smem:$0x3F9A];
	s0 =	simm.s32 @p1 $0x1  }
0x15: {  	[smem:$0x3FB7] =	sst s0;
	s0 =	simm.s32 @!p2 $0x0  }
0x16: {  	s3 =	sld [smem:$0x3FDB];
	s0 =	simm.s32 @p2 $0x1  }
0x17: {  	s4 =	simm.s32 $0x1BF5;
	[smem:$0x3FB9] =	sst s0  }
0x18: {  	s0 =	sld [smem:$0x3F9C];
	_ =	swait.ge [sflag:s4], $0x0  }
0x19: {  	s7 =	sld [smem:$0x3F9D]  }
0x1a: {  	s8 =	sadd.s32 $0xFFFFE003, lr  }
0x1b: {  	s9 =	sadd.s32 $0xFFFFFEF7, lr;
	s5 =	simm.s32 $0xFFFFFFFF;
	p2 =	slt.u32 s8, $0xFFFFF086  }
0x1c: {  	p1 =	slt.u32 s9, $0xF7A;
	s5 =	simm.s32 @!p2 $0x0  }
0x1d: {  	s5 =	simm.s32 @p1 $0x1;
	p0 =	seq.s32 s7, s2  }
0x1e: {  	s7 =	smul.u32 @!p0 $0xF7A, s2;
	p2 =	seq.s32 @!p0 s5, $0x0  }
0x1f: {  	s9 =	smul.u32 $0xF7A, s1;
	s8 =	simm.s32 @!p0 $0x1BF5;
	p2 =	por !p2, p0  }
0x20: {  	[sflag:s8] =	ssyncset.s32 @!p0 $0xFFFFF086;
	s6 =	sadd.s32 @!p0 s3, s7;
	s7 =	simm.s32 @!p0 $0x108  }
0x21: {  	s3 =	sadd.s32 s3, s9;
	s6 =	sadd.s32 @!p0 $0x88, s6;
	s7 =	simm.s32 @p2 $0x1082  }
0x22: {  	[simem:s7], [sflag:s8] =	dma.local @!p0 [hbm:s6], $0xF7A  }
0x23: {  	s9 =	sor.u32 $0xD0000000, s2;
	s6 =	simm.s32 $0x108;
	_ =	swait.ge @!p0 [sflag:s8], $0x0  }
0x24: {  	s3 =	sadd.s32 $0x88, s3;
	s6 =	simm.s32 @!p1 $0x1082;
	[sflag:s4] =	ssyncset.s32 $0xFFFFF086  }
0x25: {  	[simem:s6], [sflag:s4] =	dma.local [hbm:s3], $0xF7A  }
0x26: {  	[smem:$0x3F9D] =	sst s1;
	(tag) =	ssettag s2;
	_ =	strace s9  }
0x27: {  	s1 =	sld [smem:$0x3FAD]  }
0x28: {  	s2 =	sld [smem:$0x3FAE]  }
0x29: {  	s4 =	sld [smem:$0x3FB0]  }
0x2a: {  	p0 =	seq.s32 s5, $0x0;
	s5 =	sld [smem:$0x3FB1]  }
0x2b: {  	s6 =	sld [smem:$0x3FB2]  }
0x2c: {  	s7 =	sld [smem:$0x3FB3]  }
0x2d: {  	s3 =	simm.s32 $0x108;
	s8 =	sld [smem:$0x3FB4]  }
0x2e: {  	s3 =	simm.s32 @!p0 $0x1082;
	s9 =	sld [smem:$0x3FB5]  }
0x2f: {  	lr =	sadd.s32 s0, s3;
	s0 =	sld [smem:$0x3FAC]  }
0x30: {  	s3 =	sld [smem:$0x3FAF]  }
0x31: {  	[smem:$0x3FB8] =	sst s10  }
0x32: {  	s10 =	sld [smem:$0x3FB6];
	_ =	sdelay $0x3  }
0x33: {  	p0 =	seq.s32 s10, $0x1;
	s10 =	sld [smem:$0x3FB8];
	_ =	sdelay $0x3  }
0x34: {  	[smem:$0x3FB8] =	sst s10  }
0x35: {  	s10 =	sld [smem:$0x3FB7];
	_ =	sdelay $0x3  }
0x36: {  	p1 =	seq.s32 s10, $0x1;
	s10 =	sld [smem:$0x3FB8];
	_ =	sdelay $0x3  }
0x37: {  	[smem:$0x3FB8] =	sst s10  }
0x38: {  	s10 =	sld [smem:$0x3FB9]  }
0x39: {  	_ = 	snop;
	(pc) =	sbr.ind lr, $3  }
0x3a: {  	_ = 	snop  }
0x3b: {  	_ = 	snop  }
0x3c: {  	p2 =	seq.s32 s10, $0x1;
	s10 =	sld [smem:$0x3FB8]  }
0x3d: {  	_ =	shalt  }
0x3e: {  	_ =	shalt  }
0x3f: {  	_ =	shalt  }
0x40: {  	_ =	shalt  }
0x41: {  	_ =	shalt  }
0x42: {  	_ =	shalt  }
0x43: {  	_ =	shalt  }
0x44: {  	_ =	shalt  }
0x45: {  	_ =	shalt  }
0x46: {  	_ =	shalt  }
0x47: {  	_ =	shalt  }
0x48: {  	_ =	shalt  }
0x49: {  	_ =	shalt  }
0x4a: {  	_ =	shalt  }
0x4b: {  	_ =	shalt  }
0x4c: {  	_ =	shalt  }
0x4d: {  	_ =	shalt  }
0x4e: {  	_ =	shalt  }
0x4f: {  	_ =	shalt  }
0x50: {  	_ =	shalt  }
0x51: {  	_ =	shalt  }
0x52: {  	_ =	shalt  }
0x53: {  	_ =	shalt  }
0x54: {  	_ =	shalt  }
0x55: {  	_ =	shalt  }
0x56: {  	_ =	shalt  }
0x57: {  	_ =	shalt  }
0x58: {  	_ =	shalt  }
0x59: {  	_ =	shalt  }
0x5a: {  	_ =	shalt  }
0x5b: {  	_ =	shalt  }
0x5c: {  	_ =	shalt  }
0x5d: {  	_ =	shalt  }
0x5e: {  	_ =	shalt  }
0x5f: {  	_ =	shalt  }
0x60: {  	_ =	shalt  }
0x61: {  	_ =	shalt  }
0x62: {  	_ =	shalt  }
0x63: {  	_ =	shalt  }
0x64: {  	_ =	shalt  }
0x65: {  	_ =	shalt  }
0x66: {  	_ =	shalt  }
0x67: {  	_ =	shalt  }
0x68: {  	_ =	shalt  }
0x69: {  	_ =	shalt  }
0x6a: {  	_ =	shalt  }
0x6b: {  	_ =	shalt  }
0x6c: {  	_ =	shalt  }
0x6d: {  	_ =	shalt  }
0x6e: {  	_ =	shalt  }
0x6f: {  	_ =	shalt  }
0x70: {  	_ =	shalt  }
0x71: {  	_ =	shalt  }
0x72: {  	_ =	shalt  }
0x73: {  	_ =	shalt  }
0x74: {  	_ =	shalt  }
0x75: {  	_ =	shalt  }
0x76: {  	_ =	shalt  }
0x77: {  	_ =	shalt  }
0x78: {  	_ =	shalt  }
0x79: {  	_ =	shalt  }
0x7a: {  	_ =	shalt  }
0x7b: {  	_ =	shalt  }
0x7c: {  	_ =	shalt  }
0x7d: {  	_ =	shalt  }
0x7e: {  	_ =	shalt  }
0x7f: {  	_ =	shalt  }
0x80: {  	_ =	shalt  }
0x81: {  	_ =	shalt  }
0x82: {  	_ =	shalt  }
0x83: {  	_ =	shalt  }
0x84: {  	_ =	shalt  }
0x85: {  	_ =	shalt  }
0x86: {  	_ =	shalt  }
0x87: {  	_ =	shalt  }
.Lfunc_end0:
.L_simem_size_0:
called_computation_lowered:
.L_overlay_start_0:
0x88: {  	s2 =	sld [smem:$0x3FD9]  }
0x89: {  	s3 =	sld [smem:$0x3FFE];
	_ =	sdelay $0x1  }
0x8a: {  	s1 =	srdreg.scid  }
0x8b: {  	s0 =	sand.u32 $0x1, s1  }
0x8c: {  	s17 =	sshll.u32 s0, $0xA;
	s2 =	sadd.s32 s3, s2  }
0x8d: {  	s2 =	sadd.s32 s2, s17  }
0x8e: {  	[smem:$0x3FC4] =	sst s2  }
0x8f: {  	_ = 	snop  }
0x90: {  	s18 =	sld [smem:$0x3FC9];
	(tm) =	ssettm $0x1  }
0x91: {  	s19 =	sld [smem:$0x3FFB];
	_ =	sdelay $0x3  }
0x92: {  	_ =	strace s19  }
0x93: {  	s2 =	sld [smem:$0x3FFC];
	_ =	sdelay $0x3  }
0x94: {  	_ =	strace s2  }
0x95: {  	s2 =	sld [smem:$0x3FFD];
	_ =	sdelay $0x3  }
0x96: {  	_ =	strace s2  }
0x97: {  	_ =	strace $0x8FFFFFFF  }
0x98: {  	s20 =	sld [smem:$0x3FDB];
	_ =	sdelay $0x1  }
0x99: {  	s4 =	simm.s32 $_scs_section_size  }
0x9a: {  	s5 =	simm.s32 $_size__tile_overlayer_lowered;
	s6 =	simm.s32 $_tile_overlayer_lowered  }
0x9b: {  	s7 =	simm.s32 $0x1BFF;
	s21 =	sshll.u32 s6, $0x1;
	s4 =	sadd.s32 s4, s20  }
0x9c: {  	s22 =	simm.s32 $0x0;
	s5 =	sshll.u32 s5, $0x1;
	s6 =	sadd.s32 s21, s4  }
0x9d: {  	[timem:s22], [sflag:s7] =	dma.local [hbm:s6], s5  }
0x9e: {  	_ =	swait.ge [sflag:s7], s5  }
0x9f: {  	s5 =	ssub.s32 $0x0, s5;
	[sflag:s7] =	ssyncset.done $0x0  }
0xa0: {  	[sflag:s7] =	ssyncadd.s32 s5;
	_ =	sdelay $0x1  }
0xa1: {  	s23 =	simm.s32 $0x1B8B  }
0xa2: {  	_ =	swait.ge [sflag:s23], $0x1  }
0xa3: {  	[sflag:s23] =	ssyncset.done $0x0  }
0xa4: {  	[sflag:s23] =	ssyncadd.s32 $0xFFFFFFFF  }
0xa5: {  	s5 =	sld [smem:$0x0]  }
0xa6: {  	s6 =	sand.u32 $0xFFFFFFFE, s1  }
0xa7: {  	p0 =	sne.s32 s1, s6  }
0xa8: {  	s6 =	sshll.u32 @p0 s6, $0xE  }
0xa9: {  	s6 =	sadd.s32 @p0 $0x11B8D, s6;
	s7 =	sshll.u32 @p0 s5, $0x11  }
0xaa: {  	s6 =	sor.u32 @p0 s7, s6  }
0xab: {  	[sflag:s6] =	ssyncadd.remote.s32 @p0 $0x1;
	_ =	sdelay $0x1  }
0xac: {  	s6 =	simm.s32 @p0 $0x1B8D  }
0xad: {  	_ =	swait.eq @p0 [sflag:s6], $0x1  }
0xae: {  	[sflag:s6] =	ssyncadd.s32 @p0 $0xFFFFFFFF  }
0xaf: {  	s7 =	sshll.u32 @!p0 s1, $0xE  }
0xb0: {  	s7 =	sor.u32 @!p0 $0x4000, s7;
	s6 =	simm.s32 @!p0 $0x1B8D  }
0xb1: {  	s5 =	sshll.u32 @!p0 s5, $0x11;
	s7 =	sadd.s32 @!p0 $0x11B8D, s7;
	_ =	swait.eq @!p0 [sflag:s6], $0x1  }
0xb2: {  	s5 =	sor.u32 @!p0 s5, s7;
	[sflag:s6] =	ssyncadd.s32 @!p0 $0xFFFFFFFF  }
0xb3: {  	s25 =	simm.s32 $0x1B8E;
	s24 =	sld [smem:$0x3FFE];
	[sflag:s5] =	ssyncadd.remote.s32 @!p0 $0x1  }
0xb4: {  	s26 =	simm.s32 $execute0_lowered;
	[smem:$0x3FD2] =	sst s25  }
0xb5: {  	s6 =	sshll.u32 s26, $0x1;
	_ =	strace $0x80000049;
	[dreg:$0x1] =	wrdreg $0xFFFFFFFF  }
0xb6: {  	s28 =	simm.s32 $_size_execute0_lowered;
	s4 =	sadd.s32 s4, s6;
	[dreg:$0x0] =	wrdreg $0x0  }
0xb7: {  	s6 =	sshll.u32 s28, $0x1;
	[dreg:$0x2] =	wrdreg s4  }
0xb8: {  	[dreg:$0x3] =	wrdreg s6  }
0xb9: {  	[dreg:$0x4] =	wrdreg $0xC0  }
0xba: {  	_ =	task [dreg:s22], $0x5FFFF  }
0xbb: {  	[dreg:$0x1] =	wrdreg $0xFFFFFFFF  }
0xbc: {  	[dreg:$0x0] =	wrdreg $0x60  }
0xbd: {  	[dreg:$0x2] =	wrdreg s18  }
0xbe: {  	[dreg:$0x3] =	wrdreg s24  }
0xbf: {  	[dreg:$0x4] =	wrdreg $0x9  }
0xc0: {  	_ =	task.clear_ibuf [dreg:s22], $0x5FFFF;
	_ =	strace $0x90000049  }
0xc1: {  	s29 =	simm.s32 $0x9;
	_ =	strace $0x8000004B  }
0xc2: {  	_ =	swait.ge [sflag:s29], $0x1  }
0xc3: {  	[sflag:s29] =	ssyncadd.s32 $0xFFFFFFFF  }
0xc4: {  	_ =	strace $0x9000004B  }
0xc5: {  	_ =	sfence  }
0xc6: {  	s30 =	sld [smem:$0x0];
	_ =	sdelay $0x2  }
0xc7: {  	s31 =	sshll.u32 s1, $0xD;
	s1 =	sshrl.u32 s1, $0x2  }
0xc8: {  	s4 =	sand.u32 $0x4000, s31;
	s1 =	sadd.s32 s1, s30  }
0xc9: {  	s0 =	sor.u32 s4, s0;
	s1 =	sshll.u32 s1, $0x11  }
0xca: {  	s0 =	sor.u32 s1, s0  }
0xcb: {  	s0 =	sadd.s32 $0x8F2B, s0  }
0xcc: {  	[sflag:s0] =	ssyncadd.remote.s32 $0x1  }
0xcd: {  	_ =	sfence.sel $0xFFFF  }
0xce: {  	[dreg:$0x0] =	wrdreg $0xFFFFFFFF;
	(pc) =	sbr.abs _section_cstart, $3  }
0xcf: {  	[dreg:$0x1] =	wrdreg $0xFFFFFFFF  }
0xd0: {  	_ =	task.clear_ibuf [dreg:s22], $0x2FFFF;
	_ =	strace $0x9FFFFFFF  }
0xd1: {  	(tm) =	ssettm $0x7FFFFFFF  }
tec
execute0_lowered:
.L_overlay_start_1:
0x0: {  	(tag) =	ssettag $0x1  }
0x1: {  	s4 =	rddreg [dreg:$0x0]  }
0x2: {  	s5 =	rddreg [dreg:$0x1]  }
0x3: {  	s0 =	rddreg [dreg:$0x2]  }
0x4: {  	s3 =	srdreg.scid;
	s2 =	simm.s32 $0x0;
	s1 =	stileid.u32  }
0x5: {  	s9 =	simm.s32 $0x400;
	s10 =	simm.s32 $0x1;
	s11 =	simm.s32 $0x0  }
0x6: {  	s6 =	sand.u32 $0x1, s3;
	[smem:$0x7FF] =	sst s2;
	s30 =	sshll.u32 s1, $0xA  }
0x7: {  	s3 =	sadd.s32 $0x420C00, s5;
	s7 =	sshll.u32 s6, $0x9;
	s6 =	ssub.s32 $0x2, s6  }
0x8: {  	_ =	strace $0x8000004A;
	s7 =	sor.u32 s7, s30;
	s31 =	sshrl.u32 s6, $0x1  }
0x9: {  	s8 =	sshll.u32 s7, $0x4;
	s7 =	sshrl.u32 s7, $0x3;
	s6 =	ssub.s32 s6, s31  }
0xa: {  	s5 =	sadd.s32 s8, s5;
	s4 =	sadd.s32 s4, s7;
	s6 =	smax.u32 s6, $0x1  }
0xb: {  	s7 =	simm.s32 $0x2;
	s8 =	simm.s32 $0x200;
	s5 =	sadd.s32 $0x800C00, s5  }
.LBB2_1:
0xc: {  	[tilespmem:s2], [sflag:$0x2] =	stream.linear.gather [hbm4b:s4+s2], $0x200, $0x38;
	[tilespmem:$0x10400] =	vst v63  }
0xd: {  	_ =	swait.ge [sflag:s7], $0x200  }
0xe: {  	[sflag:s7] =	ssyncset.done $0x0  }
0xf: {  	s12 =	simm.s32 $0x0;
	[sflag:s7] =	ssyncadd.s32 $0xFFFFFE00  }
0x10: {  	s13 =	simm.s32 $0x40;
	v0 =	vld [tilespmem:s12+$0x0]  }
.LBB2_2:
0x11: {  	_ =	sdelay $0x1  }
0x12: {  	p0 =	sne.s32 s13, $0x7C0  }
.Ltmp0:
0x13: {  	_ = 	snop;
	(pc) =	sbr.rel @p0 .LBB2_2-.Ltmp0, $4  }
0x14: {  	v1 =	vshra.s32 v0, $0x2  }
0x15: {  	v2 =	vand.u32 $0x1FFF, v0;
	v1 =	vand.u32 $0xFFFFE000, v1  }
0x16: {  	s14 =	sshra.s32 s13, $0x2;
	v1 =	vor.u32 v2, v1  }
0x17: {  	s13 =	sadd.s32 $0x40, s13;
	v0 =	vld [tilespmem:s14+$0x0];
	[tilespmem:s12+$0x200] =	vst v1;
	s12 =	smov.u32 s14  }
0x18: {  	_ =	sdelay $0x3  }
0x19: {  	v1 =	vshra.s32 v0, $0x2  }
0x1a: {  	v63 =	vand.u32 $0x1FFF, v0;
	v1 =	vand.u32 $0xFFFFE000, v1  }
0x1b: {  	v0 =	vor.u32 v63, v1  }
0x1c: {  	[tilespmem:s12+$0x200] =	vst v0  }
0x1d: {  	[tilespmem:s9], [sflag:$0x1] =	stream.indirect.gather [hbm4b:s3+s8], $0x80, s8, s8, $0xb8;
	[tilespmem:$0x10400] =	vst v63  }
0x1e: {  	s11 =	sadd.s32 $0x1, s11;
	_ =	swait.ge [sflag:s10], $0x10000  }
0x1f: {  	p0 =	sne.s32 s11, s6;
	[sflag:s10] =	ssyncset.done $0x0  }
.Ltmp1:
0x20: {  	[sflag:s10] =	ssyncadd.s32 $0xFFFF0000;
	(pc) =	sbr.rel @p0 .LBB2_1-.Ltmp1, $4  }
0x21: {  	[hbm4b:s5+s2] =	stream.linear.scatter [tilespmem:s9], [sflag:$0x2], $0x10000, $0x38;
	[tilespmem:$0x10400] =	vst v63  }
0x22: {  	_ =	swait.ge [sflag:s7], $0x10000  }
0x23: {  	[sflag:s7] =	ssyncset.done $0x0  }
0x24: {  	[sflag:s7] =	ssyncadd.s32 $0xFFFF0000  }
0x25: {  	_ =	sfence.sel $0x180000  }
0x26: {  	[bflag:$0x0] =	sbarrier.arrive $0xFFFF  }
0x27: {  	p0 =	sne.s32 s1, $0x0;
	_ =	strace $0x9000004A  }
0x28: {  	s0 =	sadd.s32 @!p0 $0x100000, s0;
	[bflag:$0x2] =	sbarrier.arrive $0xFFFF  }
0x29: {  	[sflag:s0] =	ssyncadd.tile.s32 @!p0 $0x1;
	_ =	shalt  }
.Lfunc_end2:
_tile_overlayer_lowered:
.L_overlay_start_2:
0x2a: {  	(tag) =	ssettag $0x2  }
0x2b: {  	s0 =	rddreg [dreg:$0x0];
	s2 =	stileid.u32  }
0x2c: {  	s1 =	rddreg [dreg:$0x1];
	p0 =	sne.s32 s2, $0x0  }
0x2d: {  	s3 =	rddreg [dreg:$0x2];
	[bflag:$0x3] =	sbarrier.arrive $0xFFFF;
	s2 =	simm.s32 @!p0 $0x1C02  }
0x2e: {  	[timem:s3], [sflag:s2] =	dma.local @!p0 [hbm:s0], s1  }
0x2f: {  	s0 =	simm.s32 @!p0 $0x2  }
0x30: {  	_ =	swait.ge @!p0 [sflag:s0], s1  }
0x31: {  	s1 =	ssub.s32 @!p0 $0x0, s1;
	[sflag:s0] =	ssyncset.done @!p0 $0x0  }
0x32: {  	[sflag:s0] =	ssyncadd.s32 @!p0 s1  }
0x33: {  	[bflag:$0x3] =	sbarrier.arrive $0xFFFF  }
0x34: {  	_ =	shalt  }

</sc_bundles>
